<compile_context>
chip_gen: v7x
topology: tpu7x:2x2x1
jax: 0.10.2.dev20260603
libtpu: 0.0.44.dev20260713+nightly
codegen_flags: <defaults>
</compile_context>

<pallas_src>
import functools

import jax
import jax.numpy as jnp
from jax import lax
from jax.experimental import pallas as pl
from jax.experimental.pallas import tpu as pltpu
from jax.experimental.pallas import tpu_sc as plsc

N = 10000
D = 128
E = 320000

NC = 2
NS = 16
L = 16
NW = NC * NS
C = 128
K = 80
EPW = K * C
EPAD = NW * EPW
NPAD = 10240
NASC = 10240
RPT = NASC // NS
NR = NPAD // D

BLK = 2048
GRID = NPAD // BLK
EBLK = 4096
EGRID = EPAD // EBLK

_mesh = functools.partial(
    plsc.VectorSubcoreMesh,
    core_axis_name="c", subcore_axis_name="s", num_cores=NC, num_subcores=NS)


@functools.partial(
    pl.kernel,
    out_type=jax.ShapeDtypeStruct((NC, NPAD, D), jnp.float32),
    mesh=_mesh(),
    scratch_types=[
        pltpu.VMEM((K, C), jnp.int32),
        pltpu.VMEM((K, C), jnp.int32),
        pltpu.VMEM((C, D), jnp.float32),
        pltpu.VMEM_SHARED((NASC, D), jnp.float32),
        pltpu.SemaphoreType.DMA,
    ],
)
def _sc_scatter(g_hbm, zt_hbm, src_hbm, dst_hbm, out_hbm,
                src_v, dst_v, rows_v, acc_sp, sem):
    cid = lax.axis_index("c")
    sid = lax.axis_index("s")
    wid = cid * NS + sid

    pltpu.sync_copy(zt_hbm, rows_v)
    nfull = RPT // C
    for b in range(nfull):
        pltpu.sync_copy(rows_v, acc_sp.at[pl.ds(sid * RPT + b * C, C)])
    rem = RPT - nfull * C
    if rem:
        pltpu.sync_copy(rows_v.at[pl.ds(0, rem)],
                        acc_sp.at[pl.ds(sid * RPT + nfull * C, rem)])
    pltpu.sync_copy(src_hbm.at[wid], src_v)
    pltpu.sync_copy(dst_hbm.at[wid], dst_v)
    plsc.subcore_barrier()

    def body(k, _):
        pltpu.async_copy(g_hbm.at[src_v.at[k]], rows_v, sem).wait()
        pltpu.sync_copy(rows_v, acc_sp.at[dst_v.at[k]], add=True)
        return 0

    lax.fori_loop(0, K, body, 0)

    plsc.subcore_barrier()
    pltpu.sync_copy(acc_sp.at[pl.ds(sid * RPT, RPT)],
                    out_hbm.at[cid, pl.ds(sid * RPT, RPT)])


def _tch_body(sc_ref, sr_ref, dc_ref, dr_ref, hist_ref):
    i = pl.program_id(0)
    lane = lax.broadcasted_iota(jnp.int32, (1, D), 1)
    rowc = lax.broadcasted_iota(jnp.int32, (NR, 1), 0)

    def hist(col_idx, row_idx):
        oh_lane = ((col_idx & (D - 1)) == lane).astype(jnp.float32)
        oh_rowt = ((row_idx >> 7) == rowc).astype(jnp.float32)
        return jnp.dot(oh_rowt, oh_lane, preferred_element_type=jnp.float32)

    hs = hist(sc_ref[...], sr_ref[...])
    hd = hist(dc_ref[...], dr_ref[...])
    part = jnp.concatenate([hs[None], hd[None]], axis=0)

    @pl.when(i == 0)
    def _():
        hist_ref[...] = part

    @pl.when(i > 0)
    def _():
        hist_ref[...] += part


def _tc_hist(src_c, src_r, dst_c, dst_r):
    return pl.pallas_call(
        _tch_body,
        grid=(EGRID,),
        in_specs=[
            pl.BlockSpec((EBLK, 1), lambda i: (i, 0)),
            pl.BlockSpec((1, EBLK), lambda i: (0, i)),
            pl.BlockSpec((EBLK, 1), lambda i: (i, 0)),
            pl.BlockSpec((1, EBLK), lambda i: (0, i)),
        ],
        out_specs=pl.BlockSpec((2, NR, D), lambda i: (0, 0, 0)),
        out_shape=jax.ShapeDtypeStruct((2, NR, D), jnp.float32),
    )(src_c, src_r, dst_c, dst_r)


def _tca_body(x_ref, w1_ref, dp_ref, g1_ref, nrm_ref):
    ns = lax.rsqrt(jnp.maximum(dp_ref[0, :], 1.0))
    nd = lax.rsqrt(jnp.maximum(dp_ref[1, :], 1.0))
    g1_ref[...] = jnp.dot(x_ref[...], w1_ref[...],
                          preferred_element_type=jnp.float32) * ns[:, None]
    nrm_ref[0, :] = ns
    nrm_ref[1, :] = nd


def _tc_a(x_pad, W1, deg):
    return pl.pallas_call(
        _tca_body,
        grid=(GRID,),
        in_specs=[
            pl.BlockSpec((BLK, D), lambda i: (i, 0)),
            pl.BlockSpec((D, D), lambda i: (0, 0)),
            pl.BlockSpec((2, BLK), lambda i: (0, i)),
        ],
        out_specs=[
            pl.BlockSpec((BLK, D), lambda i: (i, 0)),
            pl.BlockSpec((2, BLK), lambda i: (0, i)),
        ],
        out_shape=[
            jax.ShapeDtypeStruct((NPAD, D), jnp.float32),
            jax.ShapeDtypeStruct((2, NPAD), jnp.float32),
        ],
    )(x_pad, W1, deg)


def _tcb_body(agg_ref, nrm_ref, b1_ref, w2_ref, wuv_ref,
              g2_ref, u_ref, v_ref):
    i = pl.program_id(0)
    rid = i * BLK + lax.broadcasted_iota(jnp.int32, (BLK, D), 0)
    q = (agg_ref[0].astype(jnp.float32) + agg_ref[1].astype(jnp.float32))
    h1 = jax.nn.relu(q * nrm_ref[1, :][:, None] + b1_ref[...])
    h1 = jnp.where(rid < N, h1, 0.0)
    g2_ref[...] = jnp.dot(h1, w2_ref[...],
                          preferred_element_type=jnp.float32
                          ) * nrm_ref[0, :][:, None]
    uv = jnp.dot(h1, wuv_ref[...], preferred_element_type=jnp.float32)
    u_ref[...] = uv[:, 0]
    v_ref[...] = uv[:, 1]


def _tc_b(aggp, norms, b1, W2, Wuv):
    return pl.pallas_call(
        _tcb_body,
        grid=(GRID,),
        in_specs=[
            pl.BlockSpec((NC, BLK, D), lambda i: (0, i, 0)),
            pl.BlockSpec((2, BLK), lambda i: (0, i)),
            pl.BlockSpec((1, D), lambda i: (0, 0)),
            pl.BlockSpec((D, D), lambda i: (0, 0)),
            pl.BlockSpec((D, 2), lambda i: (0, 0)),
        ],
        out_specs=[
            pl.BlockSpec((BLK, D), lambda i: (i, 0)),
            pl.BlockSpec((BLK,), lambda i: (i,)),
            pl.BlockSpec((BLK,), lambda i: (i,)),
        ],
        out_shape=[
            jax.ShapeDtypeStruct((NPAD, D), jnp.float32),
            jax.ShapeDtypeStruct((NPAD,), jnp.float32),
            jax.ShapeDtypeStruct((NPAD,), jnp.float32),
        ],
    )(aggp, norms, b1, W2, Wuv)


def _tcd_body(sc_ref, dc_ref, ew_ref, ut_ref, vt_ref, cb_ref, w_ref):
    lane = lax.broadcasted_iota(jnp.int32, (1, D), 1)

    def lookup(col_idx, tab):
        oh_row = ((col_idx >> 7)
                  == lax.broadcasted_iota(jnp.int32, (1, NR), 1)
                  ).astype(jnp.float32)
        rows = jnp.dot(oh_row, tab, preferred_element_type=jnp.float32)
        picked = jnp.where((col_idx & (D - 1)) == lane, rows, 0.0)
        return jnp.sum(picked, axis=1, keepdims=True)

    uval = lookup(sc_ref[...], ut_ref[...])
    vval = lookup(dc_ref[...], vt_ref[...])
    w_ref[...] = jax.nn.relu(
        uval + vval + ew_ref[...] * cb_ref[0, 0] + cb_ref[0, 1])


def _tc_d(src_c, dst_c, ew_c, utab, vtab, cb):
    return pl.pallas_call(
        _tcd_body,
        grid=(EGRID,),
        in_specs=[
            pl.BlockSpec((EBLK, 1), lambda i: (i, 0)),
            pl.BlockSpec((EBLK, 1), lambda i: (i, 0)),
            pl.BlockSpec((EBLK, 1), lambda i: (i, 0)),
            pl.BlockSpec((NR, D), lambda i: (0, 0)),
            pl.BlockSpec((NR, D), lambda i: (0, 0)),
            pl.BlockSpec((1, 2), lambda i: (0, 0)),
        ],
        out_specs=pl.BlockSpec((EBLK, 1), lambda i: (i, 0)),
        out_shape=jax.ShapeDtypeStruct((EPAD, 1), jnp.float32),
    )(src_c, dst_c, ew_c, utab, vtab, cb)


def _tcc_body(agg_ref, nrm_ref, b2_ref, s_ref):
    i = pl.program_id(0)
    q = agg_ref[0].astype(jnp.float32) + agg_ref[1].astype(jnp.float32)
    h2 = jax.nn.relu(q * nrm_ref[1, :][:, None] + b2_ref[...])
    rid = i * BLK + lax.broadcasted_iota(jnp.int32, (BLK, D), 0)
    h2 = jnp.where(rid < N, h2, 0.0)
    part = jnp.sum(h2, axis=0, keepdims=True)

    @pl.when(i == 0)
    def _():
        s_ref[...] = part

    @pl.when(i > 0)
    def _():
        s_ref[...] += part

    @pl.when(i == GRID - 1)
    def _():
        s_ref[...] *= jnp.float32(1.0 / N)


def _tc_c(aggp, norms, b2):
    return pl.pallas_call(
        _tcc_body,
        grid=(GRID,),
        in_specs=[
            pl.BlockSpec((NC, BLK, D), lambda i: (0, i, 0)),
            pl.BlockSpec((2, BLK), lambda i: (0, i)),
            pl.BlockSpec((1, D), lambda i: (0, 0)),
        ],
        out_specs=pl.BlockSpec((1, D), lambda i: (0, 0)),
        out_shape=jax.ShapeDtypeStruct((1, D), jnp.float32),
    )(aggp, norms, b2)


def kernel(x, edge_index, edge_w, z, W1, b1, W2, b2, We, be):
    src = edge_index[0].astype(jnp.int32)
    dst = edge_index[1].astype(jnp.int32)
    pad = EPAD - E
    pad_idx = jnp.full((pad,), N, jnp.int32)
    src_p = jnp.concatenate([src, pad_idx])
    dst_p = jnp.concatenate([dst, pad_idx])
    src_r = src_p.reshape(NW, K, C)
    dst_r = dst_p.reshape(NW, K, C)
    ew_c = jnp.concatenate(
        [edge_w[:, 0], jnp.zeros((pad,), jnp.float32)]).reshape(EPAD, 1)
    x_pad = jnp.concatenate(
        [x, jnp.zeros((NPAD - N, D), jnp.float32)], axis=0)
    Wuv = jnp.concatenate([We[:D], We[D:2 * D]], axis=1)
    cb = jnp.stack([We[2 * D, 0], be[0]]).reshape(1, 2)

    hist = _tc_hist(src_p.reshape(EPAD, 1), src_p.reshape(1, EPAD),
                    dst_p.reshape(EPAD, 1), dst_p.reshape(1, EPAD))
    deg = hist.reshape(2, NPAD)
    g1, norms = _tc_a(x_pad, W1, deg)
    zt = jnp.zeros((C, D), jnp.float32)
    aggp1 = _sc_scatter(g1, zt, src_r, dst_r)
    g2, u, v = _tc_b(aggp1, norms, b1.reshape(1, D), W2, Wuv)
    aggp2 = _sc_scatter(g2, zt, src_r, dst_r)
    s = _tc_c(aggp2, norms, b2.reshape(1, D))
    w_new = _tc_d(src_p.reshape(EPAD, 1), dst_p.reshape(EPAD, 1), ew_c,
                  u.reshape(NR, D), v.reshape(NR, D), cb)[:E]
    return (s, w_new)

# --- scband reference (transcript-rebuilt; emitter-appended) ---
"""Pipeline reference for scband-generator-54692113547688 (READ-ONLY COPY).

The authoritative reference and input builder live on the scoring server;
editing this copy changes nothing except your own understanding.
"""

import jax, jax.numpy as jnp
import numpy as np

N = 10000
E = 320000
D = 128


def graph_conv(h, src, dst, W, b, n_nodes):
    # DGL GraphConv with norm='both': h' = D_in^{-1/2} A (D_out^{-1/2} h W) + b
    ones = jnp.ones((src.shape[0],), dtype=h.dtype)
    deg_out = jax.ops.segment_sum(ones, src, num_segments=n_nodes)
    deg_in = jax.ops.segment_sum(ones, dst, num_segments=n_nodes)
    norm_src = jnp.power(jnp.clip(deg_out, 1.0, None), -0.5)
    norm_dst = jnp.power(jnp.clip(deg_in, 1.0, None), -0.5)
    hW = h @ W
    msg = hW[src] * norm_src[src][:, None]
    agg = jax.ops.segment_sum(msg, dst, num_segments=n_nodes)
    return agg * norm_dst[:, None] + b


def setup_inputs(seed: int = 0) -> dict:
    key = jax.random.key(seed)
    ks = jax.random.split(key, 10)
    x = jax.random.normal(ks[0], (N, D), dtype=jnp.float32)
    edge_index = jax.random.randint(ks[1], (2, E), 0, N, dtype=jnp.int64)
    edge_w = jax.random.uniform(ks[2], (E, 1), dtype=jnp.float32)
    z = jax.random.normal(ks[3], (1, D), dtype=jnp.float32)
    s1 = 1.0 / np.sqrt(D)
    W1 = jax.random.normal(ks[4], (D, D), dtype=jnp.float32) * s1
    b1 = jnp.zeros((D,), dtype=jnp.float32)
    W2 = jax.random.normal(ks[5], (D, D), dtype=jnp.float32) * s1
    b2 = jnp.zeros((D,), dtype=jnp.float32)
    We = jax.random.normal(ks[6], (2 * D + 1, 1), dtype=jnp.float32) * (1.0 / np.sqrt(2 * D + 1))
    be = jnp.zeros((1,), dtype=jnp.float32)
    return {"x": x, "edge_index": edge_index, "edge_w": edge_w, "z": z,
            "W1": W1, "b1": b1, "W2": W2, "b2": b2, "We": We, "be": be}


def reference(x, edge_index, edge_w, z, W1, b1, W2, b2, We, be):
    # Faithful jax port of Generator.update_state_vector on a materialized graph
    # (the data-dependent node/edge growth loop is not traceable; state-vector
    # update is the dominant message-passing kernel).
    src = edge_index[0]
    dst = edge_index[1]
    # s starts as z (forward sets self.s = z); reassigned by update_state_vector
    h1 = jax.nn.relu(graph_conv(x, src, dst, W1, b1, N))
    # apply_edges: w' = ReLU(Linear([h_src, h_dst, w]))
    e_feat = jnp.concatenate([h1[src], h1[dst], edge_w], axis=-1)
    w_new = jax.nn.relu(e_feat @ We + be)
    h2 = jax.nn.relu(graph_conv(h1, src, dst, W2, b2, N))
    s = jnp.mean(h2, axis=0, keepdims=True)  # dgl.mean_nodes
    return (s, w_new)

if __name__ == "__main__":
    import jax
    _d = setup_inputs()
    print(jax.jit(kernel)(*tuple(_d.values())))

</pallas_src>

<mosaic_0001>
#map = affine_map<(d0, d1) -> (0, 0)>
#map1 = affine_map<(d0, d1) -> (0, 0, 0)>
module attributes {stable_mosaic.version = 14 : i64} {
  func.func @_sc_scatter(%arg0: i32, %arg1: i32, %arg2: memref<10240x128xf32, #tpu.memory_space<hbm>>, %arg3: memref<128x128xf32, #tpu.memory_space<hbm>>, %arg4: memref<32x80x128xi32, #tpu.memory_space<hbm>>, %arg5: memref<32x80x128xi32, #tpu.memory_space<hbm>>, %arg6: memref<2x10240x128xf32, #tpu.memory_space<hbm>>, %arg7: memref<80x128xi32, #tpu.memory_space<vmem>>, %arg8: memref<80x128xi32, #tpu.memory_space<vmem>>, %arg9: memref<128x128xf32, #tpu.memory_space<vmem>>, %arg10: memref<10240x128xf32, #tpu.memory_space<vmem_shared>>, %arg11: memref<!tpu.dma_semaphore, #tpu.memory_space<semaphore_mem>>) attributes {dimension_semantics = [#tpu.dimension_semantics<core_parallel>, #tpu.dimension_semantics<subcore_parallel>], iteration_bounds = array<i64: 2, 16>, scalar_prefetch = 0 : i64, scratch_operands = 5 : i64, tpu.core_type = #tpu.core_type<sc_vector_subcore>, window_params = [{transform_indices = #map}, {transform_indices = #map}, {transform_indices = #map1}, {transform_indices = #map1}, {transform_indices = #map1}]} {
    %mul3A = arith.constant 16 : i32
    %mul3A_0 = arith.muli %arg0, %mul3A : i32
    %add3A = arith.addi %mul3A_0, %arg1 : i32
    "tpu.region"() ({
      %run_scoped3A = tpu.sem_alloc : memref<!tpu.dma_semaphore, #tpu.memory_space<semaphore_mem>>
      tpu.enqueue_dma source(%arg3 : memref<128x128xf32, #tpu.memory_space<hbm>>) target(%arg9 : memref<128x128xf32, #tpu.memory_space<vmem>>) target_semaphore(%run_scoped3A : memref<!tpu.dma_semaphore, #tpu.memory_space<semaphore_mem>>)
      tpu.wait_dma2 semaphore(%run_scoped3A : memref<!tpu.dma_semaphore, #tpu.memory_space<semaphore_mem>>) src(%arg3 : memref<128x128xf32, #tpu.memory_space<hbm>>) dst(%arg9 : memref<128x128xf32, #tpu.memory_space<vmem>>)
      tpu.yield
    }) : () -> ()
    %mul3A_1 = arith.constant 640 : i32
    %mul3A_2 = arith.muli %arg1, %mul3A_1 : i32
    %add3A_3 = arith.constant 0 : i32
    %add3A_4 = arith.addi %mul3A_2, %add3A_3 : i32
    "tpu.region"() ({
      %run_scoped3A = tpu.sem_alloc : memref<!tpu.dma_semaphore, #tpu.memory_space<semaphore_mem>>
      %dma_start3A = arith.constant 0 : i32
      %dma_start3A_32 = tpu.memref_slice %arg10[%add3A_4, %dma_start3A] : memref<10240x128xf32, #tpu.memory_space<vmem_shared>> -> memref<128x128xf32, #tpu.memory_space<vmem_shared>>
      %dma_start3A_33 = arith.constant 0 : i32
      %dma_start3A_34 = tpu.memref_slice %arg10[%add3A_4, %dma_start3A_33] : memref<10240x128xf32, #tpu.memory_space<vmem_shared>> -> memref<128x128xf32, #tpu.memory_space<vmem_shared>>
      tpu.enqueue_dma source(%arg9 : memref<128x128xf32, #tpu.memory_space<vmem>>) target(%dma_start3A_34 : memref<128x128xf32, #tpu.memory_space<vmem_shared>>) target_semaphore(%run_scoped3A : memref<!tpu.dma_semaphore, #tpu.memory_space<semaphore_mem>>)
      %dma_wait3A = arith.constant 0 : i32
      %dma_wait3A_35 = tpu.memref_slice %arg10[%add3A_4, %dma_wait3A] : memref<10240x128xf32, #tpu.memory_space<vmem_shared>> -> memref<128x128xf32, #tpu.memory_space<vmem_shared>>
      %dma_wait3A_36 = arith.constant 0 : i32
      %dma_wait3A_37 = tpu.memref_slice %arg10[%add3A_4, %dma_wait3A_36] : memref<10240x128xf32, #tpu.memory_space<vmem_shared>> -> memref<128x128xf32, #tpu.memory_space<vmem_shared>>
      tpu.wait_dma2 semaphore(%run_scoped3A : memref<!tpu.dma_semaphore, #tpu.memory_space<semaphore_mem>>) src(%arg9 : memref<128x128xf32, #tpu.memory_space<vmem>>) dst(%dma_wait3A_37 : memref<128x128xf32, #tpu.memory_space<vmem_shared>>)
      tpu.yield
    }) : () -> ()
    %mul3A_5 = arith.constant 640 : i32
    %mul3A_6 = arith.muli %arg1, %mul3A_5 : i32
    %add3A_7 = arith.constant 128 : i32
    %add3A_8 = arith.addi %mul3A_6, %add3A_7 : i32
    "tpu.region"() ({
      %run_scoped3A = tpu.sem_alloc : memref<!tpu.dma_semaphore, #tpu.memory_space<semaphore_mem>>
      %dma_start3A = arith.constant 0 : i32
      %dma_start3A_32 = tpu.memref_slice %arg10[%add3A_8, %dma_start3A] : memref<10240x128xf32, #tpu.memory_space<vmem_shared>> -> memref<128x128xf32, #tpu.memory_space<vmem_shared>>
      %dma_start3A_33 = arith.constant 0 : i32
      %dma_start3A_34 = tpu.memref_slice %arg10[%add3A_8, %dma_start3A_33] : memref<10240x128xf32, #tpu.memory_space<vmem_shared>> -> memref<128x128xf32, #tpu.memory_space<vmem_shared>>
      tpu.enqueue_dma source(%arg9 : memref<128x128xf32, #tpu.memory_space<vmem>>) target(%dma_start3A_34 : memref<128x128xf32, #tpu.memory_space<vmem_shared>>) target_semaphore(%run_scoped3A : memref<!tpu.dma_semaphore, #tpu.memory_space<semaphore_mem>>)
      %dma_wait3A = arith.constant 0 : i32
      %dma_wait3A_35 = tpu.memref_slice %arg10[%add3A_8, %dma_wait3A] : memref<10240x128xf32, #tpu.memory_space<vmem_shared>> -> memref<128x128xf32, #tpu.memory_space<vmem_shared>>
      %dma_wait3A_36 = arith.constant 0 : i32
      %dma_wait3A_37 = tpu.memref_slice %arg10[%add3A_8, %dma_wait3A_36] : memref<10240x128xf32, #tpu.memory_space<vmem_shared>> -> memref<128x128xf32, #tpu.memory_space<vmem_shared>>
      tpu.wait_dma2 semaphore(%run_scoped3A : memref<!tpu.dma_semaphore, #tpu.memory_space<semaphore_mem>>) src(%arg9 : memref<128x128xf32, #tpu.memory_space<vmem>>) dst(%dma_wait3A_37 : memref<128x128xf32, #tpu.memory_space<vmem_shared>>)
      tpu.yield
    }) : () -> ()
    %mul3A_9 = arith.constant 640 : i32
    %mul3A_10 = arith.muli %arg1, %mul3A_9 : i32
    %add3A_11 = arith.constant 256 : i32
    %add3A_12 = arith.addi %mul3A_10, %add3A_11 : i32
    "tpu.region"() ({
      %run_scoped3A = tpu.sem_alloc : memref<!tpu.dma_semaphore, #tpu.memory_space<semaphore_mem>>
      %dma_start3A = arith.constant 0 : i32
      %dma_start3A_32 = tpu.memref_slice %arg10[%add3A_12, %dma_start3A] : memref<10240x128xf32, #tpu.memory_space<vmem_shared>> -> memref<128x128xf32, #tpu.memory_space<vmem_shared>>
      %dma_start3A_33 = arith.constant 0 : i32
      %dma_start3A_34 = tpu.memref_slice %arg10[%add3A_12, %dma_start3A_33] : memref<10240x128xf32, #tpu.memory_space<vmem_shared>> -> memref<128x128xf32, #tpu.memory_space<vmem_shared>>
      tpu.enqueue_dma source(%arg9 : memref<128x128xf32, #tpu.memory_space<vmem>>) target(%dma_start3A_34 : memref<128x128xf32, #tpu.memory_space<vmem_shared>>) target_semaphore(%run_scoped3A : memref<!tpu.dma_semaphore, #tpu.memory_space<semaphore_mem>>)
      %dma_wait3A = arith.constant 0 : i32
      %dma_wait3A_35 = tpu.memref_slice %arg10[%add3A_12, %dma_wait3A] : memref<10240x128xf32, #tpu.memory_space<vmem_shared>> -> memref<128x128xf32, #tpu.memory_space<vmem_shared>>
      %dma_wait3A_36 = arith.constant 0 : i32
      %dma_wait3A_37 = tpu.memref_slice %arg10[%add3A_12, %dma_wait3A_36] : memref<10240x128xf32, #tpu.memory_space<vmem_shared>> -> memref<128x128xf32, #tpu.memory_space<vmem_shared>>
      tpu.wait_dma2 semaphore(%run_scoped3A : memref<!tpu.dma_semaphore, #tpu.memory_space<semaphore_mem>>) src(%arg9 : memref<128x128xf32, #tpu.memory_space<vmem>>) dst(%dma_wait3A_37 : memref<128x128xf32, #tpu.memory_space<vmem_shared>>)
      tpu.yield
    }) : () -> ()
    %mul3A_13 = arith.constant 640 : i32
    %mul3A_14 = arith.muli %arg1, %mul3A_13 : i32
    %add3A_15 = arith.constant 384 : i32
    %add3A_16 = arith.addi %mul3A_14, %add3A_15 : i32
    "tpu.region"() ({
      %run_scoped3A = tpu.sem_alloc : memref<!tpu.dma_semaphore, #tpu.memory_space<semaphore_mem>>
      %dma_start3A = arith.constant 0 : i32
      %dma_start3A_32 = tpu.memref_slice %arg10[%add3A_16, %dma_start3A] : memref<10240x128xf32, #tpu.memory_space<vmem_shared>> -> memref<128x128xf32, #tpu.memory_space<vmem_shared>>
      %dma_start3A_33 = arith.constant 0 : i32
      %dma_start3A_34 = tpu.memref_slice %arg10[%add3A_16, %dma_start3A_33] : memref<10240x128xf32, #tpu.memory_space<vmem_shared>> -> memref<128x128xf32, #tpu.memory_space<vmem_shared>>
      tpu.enqueue_dma source(%arg9 : memref<128x128xf32, #tpu.memory_space<vmem>>) target(%dma_start3A_34 : memref<128x128xf32, #tpu.memory_space<vmem_shared>>) target_semaphore(%run_scoped3A : memref<!tpu.dma_semaphore, #tpu.memory_space<semaphore_mem>>)
      %dma_wait3A = arith.constant 0 : i32
      %dma_wait3A_35 = tpu.memref_slice %arg10[%add3A_16, %dma_wait3A] : memref<10240x128xf32, #tpu.memory_space<vmem_shared>> -> memref<128x128xf32, #tpu.memory_space<vmem_shared>>
      %dma_wait3A_36 = arith.constant 0 : i32
      %dma_wait3A_37 = tpu.memref_slice %arg10[%add3A_16, %dma_wait3A_36] : memref<10240x128xf32, #tpu.memory_space<vmem_shared>> -> memref<128x128xf32, #tpu.memory_space<vmem_shared>>
      tpu.wait_dma2 semaphore(%run_scoped3A : memref<!tpu.dma_semaphore, #tpu.memory_space<semaphore_mem>>) src(%arg9 : memref<128x128xf32, #tpu.memory_space<vmem>>) dst(%dma_wait3A_37 : memref<128x128xf32, #tpu.memory_space<vmem_shared>>)
      tpu.yield
    }) : () -> ()
    %mul3A_17 = arith.constant 640 : i32
    %mul3A_18 = arith.muli %arg1, %mul3A_17 : i32
    %add3A_19 = arith.constant 512 : i32
    %add3A_20 = arith.addi %mul3A_18, %add3A_19 : i32
    "tpu.region"() ({
      %run_scoped3A = tpu.sem_alloc : memref<!tpu.dma_semaphore, #tpu.memory_space<semaphore_mem>>
      %dma_start3A = arith.constant 0 : i32
      %dma_start3A_32 = tpu.memref_slice %arg10[%add3A_20, %dma_start3A] : memref<10240x128xf32, #tpu.memory_space<vmem_shared>> -> memref<128x128xf32, #tpu.memory_space<vmem_shared>>
      %dma_start3A_33 = arith.constant 0 : i32
      %dma_start3A_34 = tpu.memref_slice %arg10[%add3A_20, %dma_start3A_33] : memref<10240x128xf32, #tpu.memory_space<vmem_shared>> -> memref<128x128xf32, #tpu.memory_space<vmem_shared>>
      tpu.enqueue_dma source(%arg9 : memref<128x128xf32, #tpu.memory_space<vmem>>) target(%dma_start3A_34 : memref<128x128xf32, #tpu.memory_space<vmem_shared>>) target_semaphore(%run_scoped3A : memref<!tpu.dma_semaphore, #tpu.memory_space<semaphore_mem>>)
      %dma_wait3A = arith.constant 0 : i32
      %dma_wait3A_35 = tpu.memref_slice %arg10[%add3A_20, %dma_wait3A] : memref<10240x128xf32, #tpu.memory_space<vmem_shared>> -> memref<128x128xf32, #tpu.memory_space<vmem_shared>>
      %dma_wait3A_36 = arith.constant 0 : i32
      %dma_wait3A_37 = tpu.memref_slice %arg10[%add3A_20, %dma_wait3A_36] : memref<10240x128xf32, #tpu.memory_space<vmem_shared>> -> memref<128x128xf32, #tpu.memory_space<vmem_shared>>
      tpu.wait_dma2 semaphore(%run_scoped3A : memref<!tpu.dma_semaphore, #tpu.memory_space<semaphore_mem>>) src(%arg9 : memref<128x128xf32, #tpu.memory_space<vmem>>) dst(%dma_wait3A_37 : memref<128x128xf32, #tpu.memory_space<vmem_shared>>)
      tpu.yield
    }) : () -> ()
    "tpu.region"() ({
      %run_scoped3A = tpu.sem_alloc : memref<!tpu.dma_semaphore, #tpu.memory_space<semaphore_mem>>
      %dma_start3A = arith.constant 0 : i32
      %dma_start3A_32 = arith.constant 0 : i32
      %dma_start3A_33 = tpu.memref_slice %arg4[%add3A, %dma_start3A, %dma_start3A_32] : memref<32x80x128xi32, #tpu.memory_space<hbm>> -> memref<1x80x128xi32, #tpu.memory_space<hbm>>
      %dma_start3A_34 = tpu.memref_squeeze %dma_start3A_33 : memref<1x80x128xi32, #tpu.memory_space<hbm>> -> memref<80x128xi32, #tpu.memory_space<hbm>>
      %dma_start3A_35 = arith.constant 0 : i32
      %dma_start3A_36 = arith.constant 0 : i32
      %dma_start3A_37 = tpu.memref_slice %arg4[%add3A, %dma_start3A_35, %dma_start3A_36] : memref<32x80x128xi32, #tpu.memory_space<hbm>> -> memref<1x80x128xi32, #tpu.memory_space<hbm>>
      %dma_start3A_38 = tpu.memref_squeeze %dma_start3A_37 : memref<1x80x128xi32, #tpu.memory_space<hbm>> -> memref<80x128xi32, #tpu.memory_space<hbm>>
      tpu.enqueue_dma source(%dma_start3A_38 : memref<80x128xi32, #tpu.memory_space<hbm>>) target(%arg7 : memref<80x128xi32, #tpu.memory_space<vmem>>) target_semaphore(%run_scoped3A : memref<!tpu.dma_semaphore, #tpu.memory_space<semaphore_mem>>)
      %dma_wait3A = arith.constant 0 : i32
      %dma_wait3A_39 = arith.constant 0 : i32
      %dma_wait3A_40 = tpu.memref_slice %arg4[%add3A, %dma_wait3A, %dma_wait3A_39] : memref<32x80x128xi32, #tpu.memory_space<hbm>> -> memref<1x80x128xi32, #tpu.memory_space<hbm>>
      %dma_wait3A_41 = tpu.memref_squeeze %dma_wait3A_40 : memref<1x80x128xi32, #tpu.memory_space<hbm>> -> memref<80x128xi32, #tpu.memory_space<hbm>>
      %dma_wait3A_42 = arith.constant 0 : i32
      %dma_wait3A_43 = arith.constant 0 : i32
      %dma_wait3A_44 = tpu.memref_slice %arg4[%add3A, %dma_wait3A_42, %dma_wait3A_43] : memref<32x80x128xi32, #tpu.memory_space<hbm>> -> memref<1x80x128xi32, #tpu.memory_space<hbm>>
      %dma_wait3A_45 = tpu.memref_squeeze %dma_wait3A_44 : memref<1x80x128xi32, #tpu.memory_space<hbm>> -> memref<80x128xi32, #tpu.memory_space<hbm>>
      tpu.wait_dma2 semaphore(%run_scoped3A : memref<!tpu.dma_semaphore, #tpu.memory_space<semaphore_mem>>) src(%dma_wait3A_45 : memref<80x128xi32, #tpu.memory_space<hbm>>) dst(%arg7 : memref<80x128xi32, #tpu.memory_space<vmem>>)
      tpu.yield
    }) : () -> ()
    "tpu.region"() ({
      %run_scoped3A = tpu.sem_alloc : memref<!tpu.dma_semaphore, #tpu.memory_space<semaphore_mem>>
      %dma_start3A = arith.constant 0 : i32
      %dma_start3A_32 = arith.constant 0 : i32
      %dma_start3A_33 = tpu.memref_slice %arg5[%add3A, %dma_start3A, %dma_start3A_32] : memref<32x80x128xi32, #tpu.memory_space<hbm>> -> memref<1x80x128xi32, #tpu.memory_space<hbm>>
      %dma_start3A_34 = tpu.memref_squeeze %dma_start3A_33 : memref<1x80x128xi32, #tpu.memory_space<hbm>> -> memref<80x128xi32, #tpu.memory_space<hbm>>
      %dma_start3A_35 = arith.constant 0 : i32
      %dma_start3A_36 = arith.constant 0 : i32
      %dma_start3A_37 = tpu.memref_slice %arg5[%add3A, %dma_start3A_35, %dma_start3A_36] : memref<32x80x128xi32, #tpu.memory_space<hbm>> -> memref<1x80x128xi32, #tpu.memory_space<hbm>>
      %dma_start3A_38 = tpu.memref_squeeze %dma_start3A_37 : memref<1x80x128xi32, #tpu.memory_space<hbm>> -> memref<80x128xi32, #tpu.memory_space<hbm>>
      tpu.enqueue_dma source(%dma_start3A_38 : memref<80x128xi32, #tpu.memory_space<hbm>>) target(%arg8 : memref<80x128xi32, #tpu.memory_space<vmem>>) target_semaphore(%run_scoped3A : memref<!tpu.dma_semaphore, #tpu.memory_space<semaphore_mem>>)
      %dma_wait3A = arith.constant 0 : i32
      %dma_wait3A_39 = arith.constant 0 : i32
      %dma_wait3A_40 = tpu.memref_slice %arg5[%add3A, %dma_wait3A, %dma_wait3A_39] : memref<32x80x128xi32, #tpu.memory_space<hbm>> -> memref<1x80x128xi32, #tpu.memory_space<hbm>>
      %dma_wait3A_41 = tpu.memref_squeeze %dma_wait3A_40 : memref<1x80x128xi32, #tpu.memory_space<hbm>> -> memref<80x128xi32, #tpu.memory_space<hbm>>
      %dma_wait3A_42 = arith.constant 0 : i32
      %dma_wait3A_43 = arith.constant 0 : i32
      %dma_wait3A_44 = tpu.memref_slice %arg5[%add3A, %dma_wait3A_42, %dma_wait3A_43] : memref<32x80x128xi32, #tpu.memory_space<hbm>> -> memref<1x80x128xi32, #tpu.memory_space<hbm>>
      %dma_wait3A_45 = tpu.memref_squeeze %dma_wait3A_44 : memref<1x80x128xi32, #tpu.memory_space<hbm>> -> memref<80x128xi32, #tpu.memory_space<hbm>>
      tpu.wait_dma2 semaphore(%run_scoped3A : memref<!tpu.dma_semaphore, #tpu.memory_space<semaphore_mem>>) src(%dma_wait3A_45 : memref<80x128xi32, #tpu.memory_space<hbm>>) dst(%arg8 : memref<80x128xi32, #tpu.memory_space<vmem>>)
      tpu.yield
    }) : () -> ()
    %barrier3A = arith.constant 0 : index
    tpu.barrier barrier_id(%barrier3A)
    %scan3A = arith.constant 0 : i32
    %scan3A_21 = arith.constant 0 : i32
    %scan3A_22 = arith.constant 80 : i32
    %scan3A_23 = arith.addi %scan3A_21, %scan3A_22 : i32
    %scan3A_24 = arith.constant 1 : i32
    %scan3A_25 = scf.for %scan3A_32 = %scan3A_21 to %scan3A_23 step %scan3A_24 iter_args(%scan3A_33 = %scan3A) -> (i32)  : i32 {
      %dma_start3A = arith.constant 0 : i32
      %dma_start3A_34 = tpu.memref_slice %arg7[%scan3A_32, %dma_start3A] : memref<80x128xi32, #tpu.memory_space<vmem>> -> memref<1x128xi32, #tpu.memory_space<vmem>>
      %dma_start3A_35 = tpu.memref_squeeze %dma_start3A_34 : memref<1x128xi32, #tpu.memory_space<vmem>> -> memref<128xi32, #tpu.memory_space<vmem>>
      %dma_start3A_36 = arith.constant 0 : i32
      %dma_start3A_37 = arith.constant 0 : i32
      %dma_start3A_38 = tpu.memref_slice %arg2[%dma_start3A_36, %dma_start3A_37] : memref<10240x128xf32, #tpu.memory_space<hbm>> -> memref<10240x128xf32, #tpu.memory_space<hbm>>
      tpu.enqueue_indirect_dma source(%dma_start3A_38 : memref<10240x128xf32, #tpu.memory_space<hbm>>) target(%arg9 : memref<128x128xf32, #tpu.memory_space<vmem>>) offsets(%dma_start3A_35 : memref<128xi32, #tpu.memory_space<vmem>>) semaphore(%arg11 : memref<!tpu.dma_semaphore, #tpu.memory_space<semaphore_mem>>)
      %dma_wait3A = arith.constant 0 : i32
      %dma_wait3A_39 = tpu.memref_slice %arg7[%scan3A_32, %dma_wait3A] : memref<80x128xi32, #tpu.memory_space<vmem>> -> memref<1x128xi32, #tpu.memory_space<vmem>>
      %dma_wait3A_40 = tpu.memref_squeeze %dma_wait3A_39 : memref<1x128xi32, #tpu.memory_space<vmem>> -> memref<128xi32, #tpu.memory_space<vmem>>
      %dma_wait3A_41 = arith.constant 0 : i32
      %dma_wait3A_42 = arith.constant 0 : i32
      %dma_wait3A_43 = tpu.memref_slice %arg2[%dma_wait3A_41, %dma_wait3A_42] : memref<10240x128xf32, #tpu.memory_space<hbm>> -> memref<10240x128xf32, #tpu.memory_space<hbm>>
      tpu.wait_indirect_dma semaphore(%arg11 : memref<!tpu.dma_semaphore, #tpu.memory_space<semaphore_mem>>) src(%dma_wait3A_43 : memref<10240x128xf32, #tpu.memory_space<hbm>>) dst(%arg9 : memref<128x128xf32, #tpu.memory_space<vmem>>)
      "tpu.region"() ({
        %run_scoped3A = tpu.sem_alloc : memref<!tpu.dma_semaphore, #tpu.memory_space<semaphore_mem>>
        %dma_start3A_45 = arith.constant 0 : i32
        %dma_start3A_46 = tpu.memref_slice %arg8[%scan3A_32, %dma_start3A_45] : memref<80x128xi32, #tpu.memory_space<vmem>> -> memref<1x128xi32, #tpu.memory_space<vmem>>
        %dma_start3A_47 = tpu.memref_squeeze %dma_start3A_46 : memref<1x128xi32, #tpu.memory_space<vmem>> -> memref<128xi32, #tpu.memory_space<vmem>>
        %dma_start3A_48 = arith.constant 0 : i32
        %dma_start3A_49 = arith.constant 0 : i32
        %dma_start3A_50 = tpu.memref_slice %arg10[%dma_start3A_48, %dma_start3A_49] : memref<10240x128xf32, #tpu.memory_space<vmem_shared>> -> memref<10240x128xf32, #tpu.memory_space<vmem_shared>>
        tpu.enqueue_indirect_dma source(%arg9 : memref<128x128xf32, #tpu.memory_space<vmem>>) target(%dma_start3A_50 : memref<10240x128xf32, #tpu.memory_space<vmem_shared>>) offsets(%dma_start3A_47 : memref<128xi32, #tpu.memory_space<vmem>>) semaphore(%run_scoped3A : memref<!tpu.dma_semaphore, #tpu.memory_space<semaphore_mem>>) {add = true}
        %dma_wait3A_51 = arith.constant 0 : i32
        %dma_wait3A_52 = tpu.memref_slice %arg8[%scan3A_32, %dma_wait3A_51] : memref<80x128xi32, #tpu.memory_space<vmem>> -> memref<1x128xi32, #tpu.memory_space<vmem>>
        %dma_wait3A_53 = tpu.memref_squeeze %dma_wait3A_52 : memref<1x128xi32, #tpu.memory_space<vmem>> -> memref<128xi32, #tpu.memory_space<vmem>>
        %dma_wait3A_54 = arith.constant 0 : i32
        %dma_wait3A_55 = arith.constant 0 : i32
        %dma_wait3A_56 = tpu.memref_slice %arg10[%dma_wait3A_54, %dma_wait3A_55] : memref<10240x128xf32, #tpu.memory_space<vmem_shared>> -> memref<10240x128xf32, #tpu.memory_space<vmem_shared>>
        tpu.wait_indirect_dma semaphore(%run_scoped3A : memref<!tpu.dma_semaphore, #tpu.memory_space<semaphore_mem>>) src(%arg9 : memref<128x128xf32, #tpu.memory_space<vmem>>) dst(%dma_wait3A_56 : memref<10240x128xf32, #tpu.memory_space<vmem_shared>>)
        tpu.yield
      }) : () -> ()
      %scan3A_44 = arith.constant 0 : i32
      scf.yield %scan3A_44 : i32
    }
    %scan3A_26 = arith.constant 80 : i32
    %barrier3A_27 = arith.constant 0 : index
    tpu.barrier barrier_id(%barrier3A_27)
    %mul3A_28 = arith.constant 640 : i32
    %mul3A_29 = arith.muli %arg1, %mul3A_28 : i32
    %mul3A_30 = arith.constant 640 : i32
    %mul3A_31 = arith.muli %arg1, %mul3A_30 : i32
    "tpu.region"() ({
      %run_scoped3A = tpu.sem_alloc : memref<!tpu.dma_semaphore, #tpu.memory_space<semaphore_mem>>
      %dma_start3A = arith.constant 0 : i32
      %dma_start3A_32 = tpu.memref_slice %arg6[%arg0, %mul3A_31, %dma_start3A] : memref<2x10240x128xf32, #tpu.memory_space<hbm>> -> memref<1x640x128xf32, #tpu.memory_space<hbm>>
      %dma_start3A_33 = tpu.memref_squeeze %dma_start3A_32 : memref<1x640x128xf32, #tpu.memory_space<hbm>> -> memref<640x128xf32, #tpu.memory_space<hbm>>
      %dma_start3A_34 = arith.constant 0 : i32
      %dma_start3A_35 = tpu.memref_slice %arg10[%mul3A_29, %dma_start3A_34] : memref<10240x128xf32, #tpu.memory_space<vmem_shared>> -> memref<640x128xf32, #tpu.memory_space<vmem_shared>>
      tpu.enqueue_dma source(%dma_start3A_35 : memref<640x128xf32, #tpu.memory_space<vmem_shared>>) target(%dma_start3A_33 : memref<640x128xf32, #tpu.memory_space<hbm>>) target_semaphore(%run_scoped3A : memref<!tpu.dma_semaphore, #tpu.memory_space<semaphore_mem>>)
      %dma_wait3A = arith.constant 0 : i32
      %dma_wait3A_36 = tpu.memref_slice %arg6[%arg0, %mul3A_31, %dma_wait3A] : memref<2x10240x128xf32, #tpu.memory_space<hbm>> -> memref<1x640x128xf32, #tpu.memory_space<hbm>>
      %dma_wait3A_37 = tpu.memref_squeeze %dma_wait3A_36 : memref<1x640x128xf32, #tpu.memory_space<hbm>> -> memref<640x128xf32, #tpu.memory_space<hbm>>
      %dma_wait3A_38 = arith.constant 0 : i32
      %dma_wait3A_39 = tpu.memref_slice %arg10[%mul3A_29, %dma_wait3A_38] : memref<10240x128xf32, #tpu.memory_space<vmem_shared>> -> memref<640x128xf32, #tpu.memory_space<vmem_shared>>
      tpu.wait_dma2 semaphore(%run_scoped3A : memref<!tpu.dma_semaphore, #tpu.memory_space<semaphore_mem>>) src(%dma_wait3A_39 : memref<640x128xf32, #tpu.memory_space<vmem_shared>>) dst(%dma_wait3A_37 : memref<640x128xf32, #tpu.memory_space<hbm>>)
      tpu.yield
    }) : () -> ()
    return
  }
}

#map = affine_map<(d0, d1) -> (0, 0)>
#map1 = affine_map<(d0, d1) -> (0, 0, 0)>
module attributes {stable_mosaic.version = 14 : i64} {
  func.func @_sc_scatter(%arg0: i32, %arg1: i32, %arg2: memref<10240x128xf32, #tpu.memory_space<hbm>>, %arg3: memref<128x128xf32, #tpu.memory_space<hbm>>, %arg4: memref<32x80x128xi32, #tpu.memory_space<hbm>>, %arg5: memref<32x80x128xi32, #tpu.memory_space<hbm>>, %arg6: memref<2x10240x128xf32, #tpu.memory_space<hbm>>, %arg7: memref<80x128xi32, #tpu.memory_space<vmem>>, %arg8: memref<80x128xi32, #tpu.memory_space<vmem>>, %arg9: memref<128x128xf32, #tpu.memory_space<vmem>>, %arg10: memref<10240x128xf32, #tpu.memory_space<vmem_shared>>, %arg11: memref<!tpu.dma_semaphore, #tpu.memory_space<semaphore_mem>>) attributes {dimension_semantics = [#tpu.dimension_semantics<core_parallel>, #tpu.dimension_semantics<subcore_parallel>], iteration_bounds = array<i64: 2, 16>, scalar_prefetch = 0 : i64, scratch_operands = 5 : i64, tpu.core_type = #tpu.core_type<sc_vector_subcore>, window_params = [{transform_indices = #map}, {transform_indices = #map}, {transform_indices = #map1}, {transform_indices = #map1}, {transform_indices = #map1}]} {
    %mul3A = arith.constant 16 : i32
    %mul3A_0 = arith.muli %arg0, %mul3A : i32
    %add3A = arith.addi %mul3A_0, %arg1 : i32
    "tpu.region"() ({
      %run_scoped3A = tpu.sem_alloc : memref<!tpu.dma_semaphore, #tpu.memory_space<semaphore_mem>>
      tpu.enqueue_dma source(%arg3 : memref<128x128xf32, #tpu.memory_space<hbm>>) target(%arg9 : memref<128x128xf32, #tpu.memory_space<vmem>>) target_semaphore(%run_scoped3A : memref<!tpu.dma_semaphore, #tpu.memory_space<semaphore_mem>>)
      tpu.wait_dma2 semaphore(%run_scoped3A : memref<!tpu.dma_semaphore, #tpu.memory_space<semaphore_mem>>) src(%arg3 : memref<128x128xf32, #tpu.memory_space<hbm>>) dst(%arg9 : memref<128x128xf32, #tpu.memory_space<vmem>>)
      tpu.yield
    }) : () -> ()
    %mul3A_1 = arith.constant 640 : i32
    %mul3A_2 = arith.muli %arg1, %mul3A_1 : i32
    %add3A_3 = arith.constant 0 : i32
    %add3A_4 = arith.addi %mul3A_2, %add3A_3 : i32
    "tpu.region"() ({
      %run_scoped3A = tpu.sem_alloc : memref<!tpu.dma_semaphore, #tpu.memory_space<semaphore_mem>>
      %dma_start3A = arith.constant 0 : i32
      %dma_start3A_32 = tpu.memref_slice %arg10[%add3A_4, %dma_start3A] : memref<10240x128xf32, #tpu.memory_space<vmem_shared>> -> memref<128x128xf32, #tpu.memory_space<vmem_shared>>
      %dma_start3A_33 = arith.constant 0 : i32
      %dma_start3A_34 = tpu.memref_slice %arg10[%add3A_4, %dma_start3A_33] : memref<10240x128xf32, #tpu.memory_space<vmem_shared>> -> memref<128x128xf32, #tpu.memory_space<vmem_shared>>
      tpu.enqueue_dma source(%arg9 : memref<128x128xf32, #tpu.memory_space<vmem>>) target(%dma_start3A_34 : memref<128x128xf32, #tpu.memory_space<vmem_shared>>) target_semaphore(%run_scoped3A : memref<!tpu.dma_semaphore, #tpu.memory_space<semaphore_mem>>)
      %dma_wait3A = arith.constant 0 : i32
      %dma_wait3A_35 = tpu.memref_slice %arg10[%add3A_4, %dma_wait3A] : memref<10240x128xf32, #tpu.memory_space<vmem_shared>> -> memref<128x128xf32, #tpu.memory_space<vmem_shared>>
      %dma_wait3A_36 = arith.constant 0 : i32
      %dma_wait3A_37 = tpu.memref_slice %arg10[%add3A_4, %dma_wait3A_36] : memref<10240x128xf32, #tpu.memory_space<vmem_shared>> -> memref<128x128xf32, #tpu.memory_space<vmem_shared>>
      tpu.wait_dma2 semaphore(%run_scoped3A : memref<!tpu.dma_semaphore, #tpu.memory_space<semaphore_mem>>) src(%arg9 : memref<128x128xf32, #tpu.memory_space<vmem>>) dst(%dma_wait3A_37 : memref<128x128xf32, #tpu.memory_space<vmem_shared>>)
      tpu.yield
    }) : () -> ()
    %mul3A_5 = arith.constant 640 : i32
    %mul3A_6 = arith.muli %arg1, %mul3A_5 : i32
    %add3A_7 = arith.constant 128 : i32
    %add3A_8 = arith.addi %mul3A_6, %add3A_7 : i32
    "tpu.region"() ({
      %run_scoped3A = tpu.sem_alloc : memref<!tpu.dma_semaphore, #tpu.memory_space<semaphore_mem>>
      %dma_start3A = arith.constant 0 : i32
      %dma_start3A_32 = tpu.memref_slice %arg10[%add3A_8, %dma_start3A] : memref<10240x128xf32, #tpu.memory_space<vmem_shared>> -> memref<128x128xf32, #tpu.memory_space<vmem_shared>>
      %dma_start3A_33 = arith.constant 0 : i32
      %dma_start3A_34 = tpu.memref_slice %arg10[%add3A_8, %dma_start3A_33] : memref<10240x128xf32, #tpu.memory_space<vmem_shared>> -> memref<128x128xf32, #tpu.memory_space<vmem_shared>>
      tpu.enqueue_dma source(%arg9 : memref<128x128xf32, #tpu.memory_space<vmem>>) target(%dma_start3A_34 : memref<128x128xf32, #tpu.memory_space<vmem_shared>>) target_semaphore(%run_scoped3A : memref<!tpu.dma_semaphore, #tpu.memory_space<semaphore_mem>>)
      %dma_wait3A = arith.constant 0 : i32
      %dma_wait3A_35 = tpu.memref_slice %arg10[%add3A_8, %dma_wait3A] : memref<10240x128xf32, #tpu.memory_space<vmem_shared>> -> memref<128x128xf32, #tpu.memory_space<vmem_shared>>
      %dma_wait3A_36 = arith.constant 0 : i32
      %dma_wait3A_37 = tpu.memref_slice %arg10[%add3A_8, %dma_wait3A_36] : memref<10240x128xf32, #tpu.memory_space<vmem_shared>> -> memref<128x128xf32, #tpu.memory_space<vmem_shared>>
      tpu.wait_dma2 semaphore(%run_scoped3A : memref<!tpu.dma_semaphore, #tpu.memory_space<semaphore_mem>>) src(%arg9 : memref<128x128xf32, #tpu.memory_space<vmem>>) dst(%dma_wait3A_37 : memref<128x128xf32, #tpu.memory_space<vmem_shared>>)
      tpu.yield
    }) : () -> ()
    %mul3A_9 = arith.constant 640 : i32
    %mul3A_10 = arith.muli %arg1, %mul3A_9 : i32
    %add3A_11 = arith.constant 256 : i32
    %add3A_12 = arith.addi %mul3A_10, %add3A_11 : i32
    "tpu.region"() ({
      %run_scoped3A = tpu.sem_alloc : memref<!tpu.dma_semaphore, #tpu.memory_space<semaphore_mem>>
      %dma_start3A = arith.constant 0 : i32
      %dma_start3A_32 = tpu.memref_slice %arg10[%add3A_12, %dma_start3A] : memref<10240x128xf32, #tpu.memory_space<vmem_shared>> -> memref<128x128xf32, #tpu.memory_space<vmem_shared>>
      %dma_start3A_33 = arith.constant 0 : i32
      %dma_start3A_34 = tpu.memref_slice %arg10[%add3A_12, %dma_start3A_33] : memref<10240x128xf32, #tpu.memory_space<vmem_shared>> -> memref<128x128xf32, #tpu.memory_space<vmem_shared>>
      tpu.enqueue_dma source(%arg9 : memref<128x128xf32, #tpu.memory_space<vmem>>) target(%dma_start3A_34 : memref<128x128xf32, #tpu.memory_space<vmem_shared>>) target_semaphore(%run_scoped3A : memref<!tpu.dma_semaphore, #tpu.memory_space<semaphore_mem>>)
      %dma_wait3A = arith.constant 0 : i32
      %dma_wait3A_35 = tpu.memref_slice %arg10[%add3A_12, %dma_wait3A] : memref<10240x128xf32, #tpu.memory_space<vmem_shared>> -> memref<128x128xf32, #tpu.memory_space<vmem_shared>>
      %dma_wait3A_36 = arith.constant 0 : i32
      %dma_wait3A_37 = tpu.memref_slice %arg10[%add3A_12, %dma_wait3A_36] : memref<10240x128xf32, #tpu.memory_space<vmem_shared>> -> memref<128x128xf32, #tpu.memory_space<vmem_shared>>
      tpu.wait_dma2 semaphore(%run_scoped3A : memref<!tpu.dma_semaphore, #tpu.memory_space<semaphore_mem>>) src(%arg9 : memref<128x128xf32, #tpu.memory_space<vmem>>) dst(%dma_wait3A_37 : memref<128x128xf32, #tpu.memory_space<vmem_shared>>)
      tpu.yield
    }) : () -> ()
    %mul3A_13 = arith.constant 640 : i32
    %mul3A_14 = arith.muli %arg1, %mul3A_13 : i32
    %add3A_15 = arith.constant 384 : i32
    %add3A_16 = arith.addi %mul3A_14, %add3A_15 : i32
    "tpu.region"() ({
      %run_scoped3A = tpu.sem_alloc : memref<!tpu.dma_semaphore, #tpu.memory_space<semaphore_mem>>
      %dma_start3A = arith.constant 0 : i32
      %dma_start3A_32 = tpu.memref_slice %arg10[%add3A_16, %dma_start3A] : memref<10240x128xf32, #tpu.memory_space<vmem_shared>> -> memref<128x128xf32, #tpu.memory_space<vmem_shared>>
      %dma_start3A_33 = arith.constant 0 : i32
      %dma_start3A_34 = tpu.memref_slice %arg10[%add3A_16, %dma_start3A_33] : memref<10240x128xf32, #tpu.memory_space<vmem_shared>> -> memref<128x128xf32, #tpu.memory_space<vmem_shared>>
      tpu.enqueue_dma source(%arg9 : memref<128x128xf32, #tpu.memory_space<vmem>>) target(%dma_start3A_34 : memref<128x128xf32, #tpu.memory_space<vmem_shared>>) target_semaphore(%run_scoped3A : memref<!tpu.dma_semaphore, #tpu.memory_space<semaphore_mem>>)
      %dma_wait3A = arith.constant 0 : i32
      %dma_wait3A_35 = tpu.memref_slice %arg10[%add3A_16, %dma_wait3A] : memref<10240x128xf32, #tpu.memory_space<vmem_shared>> -> memref<128x128xf32, #tpu.memory_space<vmem_shared>>
      %dma_wait3A_36 = arith.constant 0 : i32
      %dma_wait3A_37 = tpu.memref_slice %arg10[%add3A_16, %dma_wait3A_36] : memref<10240x128xf32, #tpu.memory_space<vmem_shared>> -> memref<128x128xf32, #tpu.memory_space<vmem_shared>>
      tpu.wait_dma2 semaphore(%run_scoped3A : memref<!tpu.dma_semaphore, #tpu.memory_space<semaphore_mem>>) src(%arg9 : memref<128x128xf32, #tpu.memory_space<vmem>>) dst(%dma_wait3A_37 : memref<128x128xf32, #tpu.memory_space<vmem_shared>>)
      tpu.yield
    }) : () -> ()
    %mul3A_17 = arith.constant 640 : i32
    %mul3A_18 = arith.muli %arg1, %mul3A_17 : i32
    %add3A_19 = arith.constant 512 : i32
    %add3A_20 = arith.addi %mul3A_18, %add3A_19 : i32
    "tpu.region"() ({
      %run_scoped3A = tpu.sem_alloc : memref<!tpu.dma_semaphore, #tpu.memory_space<semaphore_mem>>
      %dma_start3A = arith.constant 0 : i32
      %dma_start3A_32 = tpu.memref_slice %arg10[%add3A_20, %dma_start3A] : memref<10240x128xf32, #tpu.memory_space<vmem_shared>> -> memref<128x128xf32, #tpu.memory_space<vmem_shared>>
      %dma_start3A_33 = arith.constant 0 : i32
      %dma_start3A_34 = tpu.memref_slice %arg10[%add3A_20, %dma_start3A_33] : memref<10240x128xf32, #tpu.memory_space<vmem_shared>> -> memref<128x128xf32, #tpu.memory_space<vmem_shared>>
      tpu.enqueue_dma source(%arg9 : memref<128x128xf32, #tpu.memory_space<vmem>>) target(%dma_start3A_34 : memref<128x128xf32, #tpu.memory_space<vmem_shared>>) target_semaphore(%run_scoped3A : memref<!tpu.dma_semaphore, #tpu.memory_space<semaphore_mem>>)
      %dma_wait3A = arith.constant 0 : i32
      %dma_wait3A_35 = tpu.memref_slice %arg10[%add3A_20, %dma_wait3A] : memref<10240x128xf32, #tpu.memory_space<vmem_shared>> -> memref<128x128xf32, #tpu.memory_space<vmem_shared>>
      %dma_wait3A_36 = arith.constant 0 : i32
      %dma_wait3A_37 = tpu.memref_slice %arg10[%add3A_20, %dma_wait3A_36] : memref<10240x128xf32, #tpu.memory_space<vmem_shared>> -> memref<128x128xf32, #tpu.memory_space<vmem_shared>>
      tpu.wait_dma2 semaphore(%run_scoped3A : memref<!tpu.dma_semaphore, #tpu.memory_space<semaphore_mem>>) src(%arg9 : memref<128x128xf32, #tpu.memory_space<vmem>>) dst(%dma_wait3A_37 : memref<128x128xf32, #tpu.memory_space<vmem_shared>>)
      tpu.yield
    }) : () -> ()
    "tpu.region"() ({
      %run_scoped3A = tpu.sem_alloc : memref<!tpu.dma_semaphore, #tpu.memory_space<semaphore_mem>>
      %dma_start3A = arith.constant 0 : i32
      %dma_start3A_32 = arith.constant 0 : i32
      %dma_start3A_33 = tpu.memref_slice %arg4[%add3A, %dma_start3A, %dma_start3A_32] : memref<32x80x128xi32, #tpu.memory_space<hbm>> -> memref<1x80x128xi32, #tpu.memory_space<hbm>>
      %dma_start3A_34 = tpu.memref_squeeze %dma_start3A_33 : memref<1x80x128xi32, #tpu.memory_space<hbm>> -> memref<80x128xi32, #tpu.memory_space<hbm>>
      %dma_start3A_35 = arith.constant 0 : i32
      %dma_start3A_36 = arith.constant 0 : i32
      %dma_start3A_37 = tpu.memref_slice %arg4[%add3A, %dma_start3A_35, %dma_start3A_36] : memref<32x80x128xi32, #tpu.memory_space<hbm>> -> memref<1x80x128xi32, #tpu.memory_space<hbm>>
      %dma_start3A_38 = tpu.memref_squeeze %dma_start3A_37 : memref<1x80x128xi32, #tpu.memory_space<hbm>> -> memref<80x128xi32, #tpu.memory_space<hbm>>
      tpu.enqueue_dma source(%dma_start3A_38 : memref<80x128xi32, #tpu.memory_space<hbm>>) target(%arg7 : memref<80x128xi32, #tpu.memory_space<vmem>>) target_semaphore(%run_scoped3A : memref<!tpu.dma_semaphore, #tpu.memory_space<semaphore_mem>>)
      %dma_wait3A = arith.constant 0 : i32
      %dma_wait3A_39 = arith.constant 0 : i32
      %dma_wait3A_40 = tpu.memref_slice %arg4[%add3A, %dma_wait3A, %dma_wait3A_39] : memref<32x80x128xi32, #tpu.memory_space<hbm>> -> memref<1x80x128xi32, #tpu.memory_space<hbm>>
      %dma_wait3A_41 = tpu.memref_squeeze %dma_wait3A_40 : memref<1x80x128xi32, #tpu.memory_space<hbm>> -> memref<80x128xi32, #tpu.memory_space<hbm>>
      %dma_wait3A_42 = arith.constant 0 : i32
      %dma_wait3A_43 = arith.constant 0 : i32
      %dma_wait3A_44 = tpu.memref_slice %arg4[%add3A, %dma_wait3A_42, %dma_wait3A_43] : memref<32x80x128xi32, #tpu.memory_space<hbm>> -> memref<1x80x128xi32, #tpu.memory_space<hbm>>
      %dma_wait3A_45 = tpu.memref_squeeze %dma_wait3A_44 : memref<1x80x128xi32, #tpu.memory_space<hbm>> -> memref<80x128xi32, #tpu.memory_space<hbm>>
      tpu.wait_dma2 semaphore(%run_scoped3A : memref<!tpu.dma_semaphore, #tpu.memory_space<semaphore_mem>>) src(%dma_wait3A_45 : memref<80x128xi32, #tpu.memory_space<hbm>>) dst(%arg7 : memref<80x128xi32, #tpu.memory_space<vmem>>)
      tpu.yield
    }) : () -> ()
    "tpu.region"() ({
      %run_scoped3A = tpu.sem_alloc : memref<!tpu.dma_semaphore, #tpu.memory_space<semaphore_mem>>
      %dma_start3A = arith.constant 0 : i32
      %dma_start3A_32 = arith.constant 0 : i32
      %dma_start3A_33 = tpu.memref_slice %arg5[%add3A, %dma_start3A, %dma_start3A_32] : memref<32x80x128xi32, #tpu.memory_space<hbm>> -> memref<1x80x128xi32, #tpu.memory_space<hbm>>
      %dma_start3A_34 = tpu.memref_squeeze %dma_start3A_33 : memref<1x80x128xi32, #tpu.memory_space<hbm>> -> memref<80x128xi32, #tpu.memory_space<hbm>>
      %dma_start3A_35 = arith.constant 0 : i32
      %dma_start3A_36 = arith.constant 0 : i32
      %dma_start3A_37 = tpu.memref_slice %arg5[%add3A, %dma_start3A_35, %dma_start3A_36] : memref<32x80x128xi32, #tpu.memory_space<hbm>> -> memref<1x80x128xi32, #tpu.memory_space<hbm>>
      %dma_start3A_38 = tpu.memref_squeeze %dma_start3A_37 : memref<1x80x128xi32, #tpu.memory_space<hbm>> -> memref<80x128xi32, #tpu.memory_space<hbm>>
      tpu.enqueue_dma source(%dma_start3A_38 : memref<80x128xi32, #tpu.memory_space<hbm>>) target(%arg8 : memref<80x128xi32, #tpu.memory_space<vmem>>) target_semaphore(%run_scoped3A : memref<!tpu.dma_semaphore, #tpu.memory_space<semaphore_mem>>)
      %dma_wait3A = arith.constant 0 : i32
      %dma_wait3A_39 = arith.constant 0 : i32
      %dma_wait3A_40 = tpu.memref_slice %arg5[%add3A, %dma_wait3A, %dma_wait3A_39] : memref<32x80x128xi32, #tpu.memory_space<hbm>> -> memref<1x80x128xi32, #tpu.memory_space<hbm>>
      %dma_wait3A_41 = tpu.memref_squeeze %dma_wait3A_40 : memref<1x80x128xi32, #tpu.memory_space<hbm>> -> memref<80x128xi32, #tpu.memory_space<hbm>>
      %dma_wait3A_42 = arith.constant 0 : i32
      %dma_wait3A_43 = arith.constant 0 : i32
      %dma_wait3A_44 = tpu.memref_slice %arg5[%add3A, %dma_wait3A_42, %dma_wait3A_43] : memref<32x80x128xi32, #tpu.memory_space<hbm>> -> memref<1x80x128xi32, #tpu.memory_space<hbm>>
      %dma_wait3A_45 = tpu.memref_squeeze %dma_wait3A_44 : memref<1x80x128xi32, #tpu.memory_space<hbm>> -> memref<80x128xi32, #tpu.memory_space<hbm>>
      tpu.wait_dma2 semaphore(%run_scoped3A : memref<!tpu.dma_semaphore, #tpu.memory_space<semaphore_mem>>) src(%dma_wait3A_45 : memref<80x128xi32, #tpu.memory_space<hbm>>) dst(%arg8 : memref<80x128xi32, #tpu.memory_space<vmem>>)
      tpu.yield
    }) : () -> ()
    %barrier3A = arith.constant 0 : index
    tpu.barrier barrier_id(%barrier3A)
    %scan3A = arith.constant 0 : i32
    %scan3A_21 = arith.constant 0 : i32
    %scan3A_22 = arith.constant 80 : i32
    %scan3A_23 = arith.addi %scan3A_21, %scan3A_22 : i32
    %scan3A_24 = arith.constant 1 : i32
    %scan3A_25 = scf.for %scan3A_32 = %scan3A_21 to %scan3A_23 step %scan3A_24 iter_args(%scan3A_33 = %scan3A) -> (i32)  : i32 {
      %dma_start3A = arith.constant 0 : i32
      %dma_start3A_34 = tpu.memref_slice %arg7[%scan3A_32, %dma_start3A] : memref<80x128xi32, #tpu.memory_space<vmem>> -> memref<1x128xi32, #tpu.memory_space<vmem>>
      %dma_start3A_35 = tpu.memref_squeeze %dma_start3A_34 : memref<1x128xi32, #tpu.memory_space<vmem>> -> memref<128xi32, #tpu.memory_space<vmem>>
      %dma_start3A_36 = arith.constant 0 : i32
      %dma_start3A_37 = arith.constant 0 : i32
      %dma_start3A_38 = tpu.memref_slice %arg2[%dma_start3A_36, %dma_start3A_37] : memref<10240x128xf32, #tpu.memory_space<hbm>> -> memref<10240x128xf32, #tpu.memory_space<hbm>>
      tpu.enqueue_indirect_dma source(%dma_start3A_38 : memref<10240x128xf32, #tpu.memory_space<hbm>>) target(%arg9 : memref<128x128xf32, #tpu.memory_space<vmem>>) offsets(%dma_start3A_35 : memref<128xi32, #tpu.memory_space<vmem>>) semaphore(%arg11 : memref<!tpu.dma_semaphore, #tpu.memory_space<semaphore_mem>>)
      %dma_wait3A = arith.constant 0 : i32
      %dma_wait3A_39 = tpu.memref_slice %arg7[%scan3A_32, %dma_wait3A] : memref<80x128xi32, #tpu.memory_space<vmem>> -> memref<1x128xi32, #tpu.memory_space<vmem>>
      %dma_wait3A_40 = tpu.memref_squeeze %dma_wait3A_39 : memref<1x128xi32, #tpu.memory_space<vmem>> -> memref<128xi32, #tpu.memory_space<vmem>>
      %dma_wait3A_41 = arith.constant 0 : i32
      %dma_wait3A_42 = arith.constant 0 : i32
      %dma_wait3A_43 = tpu.memref_slice %arg2[%dma_wait3A_41, %dma_wait3A_42] : memref<10240x128xf32, #tpu.memory_space<hbm>> -> memref<10240x128xf32, #tpu.memory_space<hbm>>
      tpu.wait_indirect_dma semaphore(%arg11 : memref<!tpu.dma_semaphore, #tpu.memory_space<semaphore_mem>>) src(%dma_wait3A_43 : memref<10240x128xf32, #tpu.memory_space<hbm>>) dst(%arg9 : memref<128x128xf32, #tpu.memory_space<vmem>>)
      "tpu.region"() ({
        %run_scoped3A = tpu.sem_alloc : memref<!tpu.dma_semaphore, #tpu.memory_space<semaphore_mem>>
        %dma_start3A_45 = arith.constant 0 : i32
        %dma_start3A_46 = tpu.memref_slice %arg8[%scan3A_32, %dma_start3A_45] : memref<80x128xi32, #tpu.memory_space<vmem>> -> memref<1x128xi32, #tpu.memory_space<vmem>>
        %dma_start3A_47 = tpu.memref_squeeze %dma_start3A_46 : memref<1x128xi32, #tpu.memory_space<vmem>> -> memref<128xi32, #tpu.memory_space<vmem>>
        %dma_start3A_48 = arith.constant 0 : i32
        %dma_start3A_49 = arith.constant 0 : i32
        %dma_start3A_50 = tpu.memref_slice %arg10[%dma_start3A_48, %dma_start3A_49] : memref<10240x128xf32, #tpu.memory_space<vmem_shared>> -> memref<10240x128xf32, #tpu.memory_space<vmem_shared>>
        tpu.enqueue_indirect_dma source(%arg9 : memref<128x128xf32, #tpu.memory_space<vmem>>) target(%dma_start3A_50 : memref<10240x128xf32, #tpu.memory_space<vmem_shared>>) offsets(%dma_start3A_47 : memref<128xi32, #tpu.memory_space<vmem>>) semaphore(%run_scoped3A : memref<!tpu.dma_semaphore, #tpu.memory_space<semaphore_mem>>) {add = true}
        %dma_wait3A_51 = arith.constant 0 : i32
        %dma_wait3A_52 = tpu.memref_slice %arg8[%scan3A_32, %dma_wait3A_51] : memref<80x128xi32, #tpu.memory_space<vmem>> -> memref<1x128xi32, #tpu.memory_space<vmem>>
        %dma_wait3A_53 = tpu.memref_squeeze %dma_wait3A_52 : memref<1x128xi32, #tpu.memory_space<vmem>> -> memref<128xi32, #tpu.memory_space<vmem>>
        %dma_wait3A_54 = arith.constant 0 : i32
        %dma_wait3A_55 = arith.constant 0 : i32
        %dma_wait3A_56 = tpu.memref_slice %arg10[%dma_wait3A_54, %dma_wait3A_55] : memref<10240x128xf32, #tpu.memory_space<vmem_shared>> -> memref<10240x128xf32, #tpu.memory_space<vmem_shared>>
        tpu.wait_indirect_dma semaphore(%run_scoped3A : memref<!tpu.dma_semaphore, #tpu.memory_space<semaphore_mem>>) src(%arg9 : memref<128x128xf32, #tpu.memory_space<vmem>>) dst(%dma_wait3A_56 : memref<10240x128xf32, #tpu.memory_space<vmem_shared>>)
        tpu.yield
      }) : () -> ()
      %scan3A_44 = arith.constant 0 : i32
      scf.yield %scan3A_44 : i32
    }
    %scan3A_26 = arith.constant 80 : i32
    %barrier3A_27 = arith.constant 0 : index
    tpu.barrier barrier_id(%barrier3A_27)
    %mul3A_28 = arith.constant 640 : i32
    %mul3A_29 = arith.muli %arg1, %mul3A_28 : i32
    %mul3A_30 = arith.constant 640 : i32
    %mul3A_31 = arith.muli %arg1, %mul3A_30 : i32
    "tpu.region"() ({
      %run_scoped3A = tpu.sem_alloc : memref<!tpu.dma_semaphore, #tpu.memory_space<semaphore_mem>>
      %dma_start3A = arith.constant 0 : i32
      %dma_start3A_32 = tpu.memref_slice %arg6[%arg0, %mul3A_31, %dma_start3A] : memref<2x10240x128xf32, #tpu.memory_space<hbm>> -> memref<1x640x128xf32, #tpu.memory_space<hbm>>
      %dma_start3A_33 = tpu.memref_squeeze %dma_start3A_32 : memref<1x640x128xf32, #tpu.memory_space<hbm>> -> memref<640x128xf32, #tpu.memory_space<hbm>>
      %dma_start3A_34 = arith.constant 0 : i32
      %dma_start3A_35 = tpu.memref_slice %arg10[%mul3A_29, %dma_start3A_34] : memref<10240x128xf32, #tpu.memory_space<vmem_shared>> -> memref<640x128xf32, #tpu.memory_space<vmem_shared>>
      tpu.enqueue_dma source(%dma_start3A_35 : memref<640x128xf32, #tpu.memory_space<vmem_shared>>) target(%dma_start3A_33 : memref<640x128xf32, #tpu.memory_space<hbm>>) target_semaphore(%run_scoped3A : memref<!tpu.dma_semaphore, #tpu.memory_space<semaphore_mem>>)
      %dma_wait3A = arith.constant 0 : i32
      %dma_wait3A_36 = tpu.memref_slice %arg6[%arg0, %mul3A_31, %dma_wait3A] : memref<2x10240x128xf32, #tpu.memory_space<hbm>> -> memref<1x640x128xf32, #tpu.memory_space<hbm>>
      %dma_wait3A_37 = tpu.memref_squeeze %dma_wait3A_36 : memref<1x640x128xf32, #tpu.memory_space<hbm>> -> memref<640x128xf32, #tpu.memory_space<hbm>>
      %dma_wait3A_38 = arith.constant 0 : i32
      %dma_wait3A_39 = tpu.memref_slice %arg10[%mul3A_29, %dma_wait3A_38] : memref<10240x128xf32, #tpu.memory_space<vmem_shared>> -> memref<640x128xf32, #tpu.memory_space<vmem_shared>>
      tpu.wait_dma2 semaphore(%run_scoped3A : memref<!tpu.dma_semaphore, #tpu.memory_space<semaphore_mem>>) src(%dma_wait3A_39 : memref<640x128xf32, #tpu.memory_space<vmem_shared>>) dst(%dma_wait3A_37 : memref<640x128xf32, #tpu.memory_space<hbm>>)
      tpu.yield
    }) : () -> ()
    return
  }
}

module attributes {stable_mosaic.version = 14 : i64} {
  func.func @_tch_body(%arg0: i32, %arg1: memref<4096x1xi32, #tpu.memory_space<vmem>>, %arg2: memref<1x4096xi32, #tpu.memory_space<vmem>>, %arg3: memref<4096x1xi32, #tpu.memory_space<vmem>>, %arg4: memref<1x4096xi32, #tpu.memory_space<vmem>>, %arg5: memref<2x80x128xf32, #tpu.memory_space<vmem>>) attributes {dimension_semantics = [#tpu.dimension_semantics<arbitrary>], iteration_bounds = array<i64: 80>, scalar_prefetch = 0 : i64, scratch_operands = 0 : i64, tpu.core_type = #tpu.core_type<tc>, window_params = [{transform_indices = @transform_0, window_bounds = array<i64: 4096, 1>}, {transform_indices = @transform_1, window_bounds = array<i64: 1, 4096>}, {transform_indices = @transform_2, window_bounds = array<i64: 4096, 1>}, {transform_indices = @transform_3, window_bounds = array<i64: 1, 4096>}, {pipeline_mode = #tpu.pipeline_mode<synchronous>, transform_indices = @transform_4, window_bounds = array<i64: 2, 80, 128>}]} {
    %iota3A = tpu.iota {dimensions = array<i32: 1>} : vector<1x128xi32>
    %iota3A_0 = tpu.iota {dimensions = array<i32: 0>} : vector<80x1xi32>
    %get3A = arith.constant 0 : index
    %get3A_1 = arith.constant 0 : index
    %get3A_2 = vector.load %arg1[%get3A, %get3A_1] : memref<4096x1xi32, #tpu.memory_space<vmem>>, vector<4096x1xi32>
    %get3A_3 = arith.constant 0 : index
    %get3A_4 = arith.constant 0 : index
    %get3A_5 = vector.load %arg2[%get3A_3, %get3A_4] : memref<1x4096xi32, #tpu.memory_space<vmem>>, vector<1x4096xi32>
    %and3A = arith.constant 127 : i32
    %and3A_6 = vector.broadcast %and3A : i32 to vector<4096x1xi32>
    %and3A_7 = arith.andi %get3A_2, %and3A_6 : vector<4096x1xi32>
    %eq3A = vector.broadcast %and3A_7 : vector<4096x1xi32> to vector<4096x128xi32>
    %eq3A_8 = vector.broadcast %iota3A : vector<1x128xi32> to vector<4096x128xi32>
    %eq3A_9 = arith.cmpi eq, %eq3A, %eq3A_8 : vector<4096x128xi32>
    %convert_element_type3A = arith.extui %eq3A_9 : vector<4096x128xi1> to vector<4096x128xi32>
    %convert_element_type3A_10 = arith.sitofp %convert_element_type3A : vector<4096x128xi32> to vector<4096x128xf32>
    %shift_right_arithmetic3A = arith.constant 7 : i32
    %shift_right_arithmetic3A_11 = vector.broadcast %shift_right_arithmetic3A : i32 to vector<1x4096xi32>
    %shift_right_arithmetic3A_12 = arith.shrsi %get3A_5, %shift_right_arithmetic3A_11 : vector<1x4096xi32>
    %eq3A_13 = vector.broadcast %shift_right_arithmetic3A_12 : vector<1x4096xi32> to vector<80x4096xi32>
    %eq3A_14 = vector.broadcast %iota3A_0 : vector<80x1xi32> to vector<80x4096xi32>
    %eq3A_15 = arith.cmpi eq, %eq3A_13, %eq3A_14 : vector<80x4096xi32>
    %convert_element_type3A_16 = arith.extui %eq3A_15 : vector<80x4096xi1> to vector<80x4096xi32>
    %convert_element_type3A_17 = arith.sitofp %convert_element_type3A_16 : vector<80x4096xi32> to vector<80x4096xf32>
    %dot_general3A = arith.constant dense<0.000000e+00> : vector<80x128xf32>
    %dot_general3A_18 = tpu.matmul %convert_element_type3A_17, %convert_element_type3A_10, %dot_general3A {dimension_numbers = #tpu.dot_dimension_numbers<[1], [0], [0], [1], [0, 0, 1, 1], [], []>, transpose_lhs_hint = false} : vector<80x4096xf32>, vector<4096x128xf32>, vector<80x128xf32> -> vector<80x128xf32>
    %get3A_19 = arith.constant 0 : index
    %get3A_20 = arith.constant 0 : index
    %get3A_21 = vector.load %arg3[%get3A_19, %get3A_20] : memref<4096x1xi32, #tpu.memory_space<vmem>>, vector<4096x1xi32>
    %get3A_22 = arith.constant 0 : index
    %get3A_23 = arith.constant 0 : index
    %get3A_24 = vector.load %arg4[%get3A_22, %get3A_23] : memref<1x4096xi32, #tpu.memory_space<vmem>>, vector<1x4096xi32>
    %and3A_25 = arith.constant 127 : i32
    %and3A_26 = vector.broadcast %and3A_25 : i32 to vector<4096x1xi32>
    %and3A_27 = arith.andi %get3A_21, %and3A_26 : vector<4096x1xi32>
    %eq3A_28 = vector.broadcast %and3A_27 : vector<4096x1xi32> to vector<4096x128xi32>
    %eq3A_29 = vector.broadcast %iota3A : vector<1x128xi32> to vector<4096x128xi32>
    %eq3A_30 = arith.cmpi eq, %eq3A_28, %eq3A_29 : vector<4096x128xi32>
    %convert_element_type3A_31 = arith.extui %eq3A_30 : vector<4096x128xi1> to vector<4096x128xi32>
    %convert_element_type3A_32 = arith.sitofp %convert_element_type3A_31 : vector<4096x128xi32> to vector<4096x128xf32>
    %shift_right_arithmetic3A_33 = arith.constant 7 : i32
    %shift_right_arithmetic3A_34 = vector.broadcast %shift_right_arithmetic3A_33 : i32 to vector<1x4096xi32>
    %shift_right_arithmetic3A_35 = arith.shrsi %get3A_24, %shift_right_arithmetic3A_34 : vector<1x4096xi32>
    %eq3A_36 = vector.broadcast %shift_right_arithmetic3A_35 : vector<1x4096xi32> to vector<80x4096xi32>
    %eq3A_37 = vector.broadcast %iota3A_0 : vector<80x1xi32> to vector<80x4096xi32>
    %eq3A_38 = arith.cmpi eq, %eq3A_36, %eq3A_37 : vector<80x4096xi32>
    %convert_element_type3A_39 = arith.extui %eq3A_38 : vector<80x4096xi1> to vector<80x4096xi32>
    %convert_element_type3A_40 = arith.sitofp %convert_element_type3A_39 : vector<80x4096xi32> to vector<80x4096xf32>
    %dot_general3A_41 = arith.constant dense<0.000000e+00> : vector<80x128xf32>
    %dot_general3A_42 = tpu.matmul %convert_element_type3A_40, %convert_element_type3A_32, %dot_general3A_41 {dimension_numbers = #tpu.dot_dimension_numbers<[1], [0], [0], [1], [0, 0, 1, 1], [], []>, transpose_lhs_hint = false} : vector<80x4096xf32>, vector<4096x128xf32>, vector<80x128xf32> -> vector<80x128xf32>
    %broadcast_in_dim3A = vector.shape_cast %dot_general3A_18 : vector<80x128xf32> to vector<1x80x128xf32>
    %broadcast_in_dim3A_43 = vector.shape_cast %dot_general3A_42 : vector<80x128xf32> to vector<1x80x128xf32>
    %concatenate3A = tpu.concatenate %broadcast_in_dim3A, %broadcast_in_dim3A_43 in 0 : vector<1x80x128xf32>, vector<1x80x128xf32> -> vector<2x80x128xf32>
    %eq3A_44 = arith.constant 0 : i32
    %eq3A_45 = arith.cmpi eq, %arg0, %eq3A_44 : i32
    %convert_element_type3A_46 = arith.extui %eq3A_45 : i1 to i32
    %cond3A = arith.constant 0 : i32
    %cond3A_47 = arith.cmpi ne, %convert_element_type3A_46, %cond3A : i32
    scf.if %cond3A_47 {
      %swap3A = arith.constant 0 : index
      %swap3A_52 = arith.constant 0 : index
      %swap3A_53 = arith.constant 0 : index
      %swap3A_54 = vector.load %arg5[%swap3A, %swap3A_52, %swap3A_53] : memref<2x80x128xf32, #tpu.memory_space<vmem>>, vector<2x80x128xf32>
      tpu.vector_store %arg5[%swap3A, %swap3A_52, %swap3A_53], %concatenate3A {strides = array<i32>} : memref<2x80x128xf32, #tpu.memory_space<vmem>>, vector<2x80x128xf32>,
    } else {
    }
    %gt3A = arith.constant 0 : i32
    %gt3A_48 = arith.cmpi sgt, %arg0, %gt3A : i32
    %convert_element_type3A_49 = arith.extui %gt3A_48 : i1 to i32
    %cond3A_50 = arith.constant 0 : i32
    %cond3A_51 = arith.cmpi ne, %convert_element_type3A_49, %cond3A_50 : i32
    scf.if %cond3A_51 {
      %get3A_52 = arith.constant 0 : index
      %get3A_53 = arith.constant 0 : index
      %get3A_54 = arith.constant 0 : index
      %get3A_55 = vector.load %arg5[%get3A_52, %get3A_53, %get3A_54] : memref<2x80x128xf32, #tpu.memory_space<vmem>>, vector<2x80x128xf32>
      %add3A = arith.addf %get3A_55, %concatenate3A : vector<2x80x128xf32>
      %swap3A = arith.constant 0 : index
      %swap3A_56 = arith.constant 0 : index
      %swap3A_57 = arith.constant 0 : index
      %swap3A_58 = vector.load %arg5[%swap3A, %swap3A_56, %swap3A_57] : memref<2x80x128xf32, #tpu.memory_space<vmem>>, vector<2x80x128xf32>
      tpu.vector_store %arg5[%swap3A, %swap3A_56, %swap3A_57], %add3A {strides = array<i32>} : memref<2x80x128xf32, #tpu.memory_space<vmem>>, vector<2x80x128xf32>,
    } else {
    }
    return
  }
  func.func @transform_0(%arg0: i32) -> (i32, i32) {
    %c0_i32 = arith.constant 0 : i32
    %c0_i32_0 = arith.constant 0 : i32
    return %arg0, %c0_i32 : i32, i32
  }
  func.func @transform_1(%arg0: i32) -> (i32, i32) {
    %c0_i32 = arith.constant 0 : i32
    %c0_i32_0 = arith.constant 0 : i32
    return %c0_i32, %arg0 : i32, i32
  }
  func.func @transform_2(%arg0: i32) -> (i32, i32) {
    %c0_i32 = arith.constant 0 : i32
    %c0_i32_0 = arith.constant 0 : i32
    return %arg0, %c0_i32 : i32, i32
  }
  func.func @transform_3(%arg0: i32) -> (i32, i32) {
    %c0_i32 = arith.constant 0 : i32
    %c0_i32_0 = arith.constant 0 : i32
    return %c0_i32, %arg0 : i32, i32
  }
  func.func @transform_4(%arg0: i32) -> (i32, i32, i32) {
    %c0_i32 = arith.constant 0 : i32
    %c0_i32_0 = arith.constant 0 : i32
    %c0_i32_1 = arith.constant 0 : i32
    %c0_i32_2 = arith.constant 0 : i32
    return %c0_i32, %c0_i32_0, %c0_i32_1 : i32, i32, i32
  }
}

module attributes {stable_mosaic.version = 14 : i64} {
  func.func @_tca_body(%arg0: i32, %arg1: memref<2048x128xf32, #tpu.memory_space<vmem>>, %arg2: memref<128x128xf32, #tpu.memory_space<vmem>>, %arg3: memref<2x2048xf32, #tpu.memory_space<vmem>>, %arg4: memref<2048x128xf32, #tpu.memory_space<vmem>>, %arg5: memref<2x2048xf32, #tpu.memory_space<vmem>>) attributes {dimension_semantics = [#tpu.dimension_semantics<arbitrary>], iteration_bounds = array<i64: 5>, scalar_prefetch = 0 : i64, scratch_operands = 0 : i64, tpu.core_type = #tpu.core_type<tc>, window_params = [{transform_indices = @transform_0, window_bounds = array<i64: 2048, 128>}, {pipeline_mode = #tpu.pipeline_mode<synchronous>, transform_indices = @transform_1, window_bounds = array<i64: 128, 128>}, {transform_indices = @transform_2, window_bounds = array<i64: 2, 2048>}, {transform_indices = @transform_3, window_bounds = array<i64: 2048, 128>}, {transform_indices = @transform_4, window_bounds = array<i64: 2, 2048>}]} {
    %get3A = arith.constant 0 : index
    %get3A_0 = arith.constant 0 : index
    %get3A_1 = vector.load %arg3[%get3A, %get3A_0] : memref<2x2048xf32, #tpu.memory_space<vmem>>, vector<1x2048xf32>
    %get3A_2 = vector.shape_cast %get3A_1 : vector<1x2048xf32> to vector<2048xf32>
    %max3A = arith.constant 1.000000e+00 : f32
    %max3A_3 = vector.broadcast %max3A : f32 to vector<2048xf32>
    %max3A_4 = arith.maximumf %get3A_2, %max3A_3 : vector<2048xf32>
    %rsqrt3A = math.rsqrt %max3A_4 : vector<2048xf32>
    %get3A_5 = arith.constant 1 : index
    %get3A_6 = arith.constant 0 : index
    %get3A_7 = vector.load %arg3[%get3A_5, %get3A_6] : memref<2x2048xf32, #tpu.memory_space<vmem>>, vector<1x2048xf32>
    %get3A_8 = vector.shape_cast %get3A_7 : vector<1x2048xf32> to vector<2048xf32>
    %max3A_9 = arith.constant 1.000000e+00 : f32
    %max3A_10 = vector.broadcast %max3A_9 : f32 to vector<2048xf32>
    %max3A_11 = arith.maximumf %get3A_8, %max3A_10 : vector<2048xf32>
    %rsqrt3A_12 = math.rsqrt %max3A_11 : vector<2048xf32>
    %get3A_13 = arith.constant 0 : index
    %get3A_14 = arith.constant 0 : index
    %get3A_15 = vector.load %arg1[%get3A_13, %get3A_14] : memref<2048x128xf32, #tpu.memory_space<vmem>>, vector<2048x128xf32>
    %get3A_16 = arith.constant 0 : index
    %get3A_17 = arith.constant 0 : index
    %get3A_18 = vector.load %arg2[%get3A_16, %get3A_17] : memref<128x128xf32, #tpu.memory_space<vmem>>, vector<128x128xf32>
    %dot_general3A = arith.constant dense<0.000000e+00> : vector<2048x128xf32>
    %dot_general3A_19 = tpu.matmul %get3A_15, %get3A_18, %dot_general3A {dimension_numbers = #tpu.dot_dimension_numbers<[1], [0], [0], [1], [0, 0, 1, 1], [], []>, transpose_lhs_hint = false} : vector<2048x128xf32>, vector<128x128xf32>, vector<2048x128xf32> -> vector<2048x128xf32>
    %broadcast_in_dim3A = vector.shape_cast %rsqrt3A : vector<2048xf32> to vector<2048x1xf32>
    %mul3A = vector.broadcast %broadcast_in_dim3A : vector<2048x1xf32> to vector<2048x128xf32>
    %mul3A_20 = arith.mulf %dot_general3A_19, %mul3A : vector<2048x128xf32>
    %swap3A = arith.constant 0 : index
    %swap3A_21 = arith.constant 0 : index
    %swap3A_22 = vector.load %arg4[%swap3A, %swap3A_21] : memref<2048x128xf32, #tpu.memory_space<vmem>>, vector<2048x128xf32>
    tpu.vector_store %arg4[%swap3A, %swap3A_21], %mul3A_20 {strides = array<i32>} : memref<2048x128xf32, #tpu.memory_space<vmem>>, vector<2048x128xf32>,
    %swap3A_23 = arith.constant 0 : index
    %swap3A_24 = arith.constant 0 : index
    %swap3A_25 = vector.load %arg5[%swap3A_23, %swap3A_24] : memref<2x2048xf32, #tpu.memory_space<vmem>>, vector<1x2048xf32>
    %swap3A_26 = vector.shape_cast %swap3A_25 : vector<1x2048xf32> to vector<2048xf32>
    %swap3A_27 = vector.shape_cast %rsqrt3A : vector<2048xf32> to vector<1x2048xf32>
    tpu.vector_store %arg5[%swap3A_23, %swap3A_24], %swap3A_27 {strides = array<i32>} : memref<2x2048xf32, #tpu.memory_space<vmem>>, vector<1x2048xf32>,
    %swap3A_28 = arith.constant 1 : index
    %swap3A_29 = arith.constant 0 : index
    %swap3A_30 = vector.load %arg5[%swap3A_28, %swap3A_29] : memref<2x2048xf32, #tpu.memory_space<vmem>>, vector<1x2048xf32>
    %swap3A_31 = vector.shape_cast %swap3A_30 : vector<1x2048xf32> to vector<2048xf32>
    %swap3A_32 = vector.shape_cast %rsqrt3A_12 : vector<2048xf32> to vector<1x2048xf32>
    tpu.vector_store %arg5[%swap3A_28, %swap3A_29], %swap3A_32 {strides = array<i32>} : memref<2x2048xf32, #tpu.memory_space<vmem>>, vector<1x2048xf32>,
    return
  }
  func.func @transform_0(%arg0: i32) -> (i32, i32) {
    %c0_i32 = arith.constant 0 : i32
    %c0_i32_0 = arith.constant 0 : i32
    return %arg0, %c0_i32 : i32, i32
  }
  func.func @transform_1(%arg0: i32) -> (i32, i32) {
    %c0_i32 = arith.constant 0 : i32
    %c0_i32_0 = arith.constant 0 : i32
    %c0_i32_1 = arith.constant 0 : i32
    return %c0_i32, %c0_i32_0 : i32, i32
  }
  func.func @transform_2(%arg0: i32) -> (i32, i32) {
    %c0_i32 = arith.constant 0 : i32
    %c0_i32_0 = arith.constant 0 : i32
    return %c0_i32, %arg0 : i32, i32
  }
  func.func @transform_3(%arg0: i32) -> (i32, i32) {
    %c0_i32 = arith.constant 0 : i32
    %c0_i32_0 = arith.constant 0 : i32
    return %arg0, %c0_i32 : i32, i32
  }
  func.func @transform_4(%arg0: i32) -> (i32, i32) {
    %c0_i32 = arith.constant 0 : i32
    %c0_i32_0 = arith.constant 0 : i32
    return %c0_i32, %arg0 : i32, i32
  }
}

module attributes {stable_mosaic.version = 14 : i64} {
  func.func @_tcb_body(%arg0: i32, %arg1: memref<2x2048x128xf32, #tpu.memory_space<vmem>>, %arg2: memref<2x2048xf32, #tpu.memory_space<vmem>>, %arg3: memref<1x128xf32, #tpu.memory_space<vmem>>, %arg4: memref<128x128xf32, #tpu.memory_space<vmem>>, %arg5: memref<128x2xf32, #tpu.memory_space<vmem>>, %arg6: memref<2048x128xf32, #tpu.memory_space<vmem>>, %arg7: memref<2048xf32, #tpu.memory_space<vmem>>, %arg8: memref<2048xf32, #tpu.memory_space<vmem>>) attributes {dimension_semantics = [#tpu.dimension_semantics<arbitrary>], iteration_bounds = array<i64: 5>, scalar_prefetch = 0 : i64, scratch_operands = 0 : i64, tpu.core_type = #tpu.core_type<tc>, window_params = [{transform_indices = @transform_0, window_bounds = array<i64: 2, 2048, 128>}, {transform_indices = @transform_1, window_bounds = array<i64: 2, 2048>}, {pipeline_mode = #tpu.pipeline_mode<synchronous>, transform_indices = @transform_2, window_bounds = array<i64: 1, 128>}, {pipeline_mode = #tpu.pipeline_mode<synchronous>, transform_indices = @transform_3, window_bounds = array<i64: 128, 128>}, {pipeline_mode = #tpu.pipeline_mode<synchronous>, transform_indices = @transform_4, window_bounds = array<i64: 128, 2>}, {transform_indices = @transform_5, window_bounds = array<i64: 2048, 128>}, {transform_indices = @transform_6, window_bounds = array<i64: 2048>}, {transform_indices = @transform_7, window_bounds = array<i64: 2048>}]} {
    %mul3A = arith.constant 2048 : i32
    %mul3A_0 = arith.muli %arg0, %mul3A : i32
    %iota3A = tpu.iota {dimensions = array<i32: 0>} : vector<2048x128xi32>
    %add3A = vector.broadcast %mul3A_0 : i32 to vector<2048x128xi32>
    %add3A_1 = arith.addi %add3A, %iota3A : vector<2048x128xi32>
    %get3A = arith.constant 0 : index
    %get3A_2 = arith.constant 0 : index
    %get3A_3 = arith.constant 0 : index
    %get3A_4 = vector.load %arg1[%get3A, %get3A_2, %get3A_3] : memref<2x2048x128xf32, #tpu.memory_space<vmem>>, vector<1x2048x128xf32>
    %get3A_5 = vector.shape_cast %get3A_4 : vector<1x2048x128xf32> to vector<2048x128xf32>
    %get3A_6 = arith.constant 1 : index
    %get3A_7 = arith.constant 0 : index
    %get3A_8 = arith.constant 0 : index
    %get3A_9 = vector.load %arg1[%get3A_6, %get3A_7, %get3A_8] : memref<2x2048x128xf32, #tpu.memory_space<vmem>>, vector<1x2048x128xf32>
    %get3A_10 = vector.shape_cast %get3A_9 : vector<1x2048x128xf32> to vector<2048x128xf32>
    %add3A_11 = arith.addf %get3A_5, %get3A_10 : vector<2048x128xf32>
    %get3A_12 = arith.constant 1 : index
    %get3A_13 = arith.constant 0 : index
    %get3A_14 = vector.load %arg2[%get3A_12, %get3A_13] : memref<2x2048xf32, #tpu.memory_space<vmem>>, vector<1x2048xf32>
    %get3A_15 = vector.shape_cast %get3A_14 : vector<1x2048xf32> to vector<2048xf32>
    %broadcast_in_dim3A = vector.shape_cast %get3A_15 : vector<2048xf32> to vector<2048x1xf32>
    %mul3A_16 = vector.broadcast %broadcast_in_dim3A : vector<2048x1xf32> to vector<2048x128xf32>
    %mul3A_17 = arith.mulf %add3A_11, %mul3A_16 : vector<2048x128xf32>
    %get3A_18 = arith.constant 0 : index
    %get3A_19 = arith.constant 0 : index
    %get3A_20 = vector.load %arg3[%get3A_18, %get3A_19] : memref<1x128xf32, #tpu.memory_space<vmem>>, vector<1x128xf32>
    %add3A_21 = vector.broadcast %get3A_20 : vector<1x128xf32> to vector<2048x128xf32>
    %add3A_22 = arith.addf %mul3A_17, %add3A_21 : vector<2048x128xf32>
    %max3A = arith.constant 0.000000e+00 : f32
    %max3A_23 = vector.broadcast %max3A : f32 to vector<2048x128xf32>
    %max3A_24 = arith.maximumf %add3A_22, %max3A_23 : vector<2048x128xf32>
    %lt3A = arith.constant 10000 : i32
    %lt3A_25 = vector.broadcast %lt3A : i32 to vector<2048x128xi32>
    %lt3A_26 = arith.cmpi slt, %add3A_1, %lt3A_25 : vector<2048x128xi32>
    %jit3A = arith.constant 0.000000e+00 : f32
    %broadcast_in_dim3A_27 = vector.broadcast %jit3A : f32 to vector<2048x128xf32>
    %select_n3A = arith.select %lt3A_26, %max3A_24, %broadcast_in_dim3A_27 : vector<2048x128xi1>, vector<2048x128xf32>
    %get3A_28 = arith.constant 0 : index
    %get3A_29 = arith.constant 0 : index
    %get3A_30 = vector.load %arg4[%get3A_28, %get3A_29] : memref<128x128xf32, #tpu.memory_space<vmem>>, vector<128x128xf32>
    %dot_general3A = arith.constant dense<0.000000e+00> : vector<2048x128xf32>
    %dot_general3A_31 = tpu.matmul %select_n3A, %get3A_30, %dot_general3A {dimension_numbers = #tpu.dot_dimension_numbers<[1], [0], [0], [1], [0, 0, 1, 1], [], []>, transpose_lhs_hint = false} : vector<2048x128xf32>, vector<128x128xf32>, vector<2048x128xf32> -> vector<2048x128xf32>
    %get3A_32 = arith.constant 0 : index
    %get3A_33 = arith.constant 0 : index
    %get3A_34 = vector.load %arg2[%get3A_32, %get3A_33] : memref<2x2048xf32, #tpu.memory_space<vmem>>, vector<1x2048xf32>
    %get3A_35 = vector.shape_cast %get3A_34 : vector<1x2048xf32> to vector<2048xf32>
    %broadcast_in_dim3A_36 = vector.shape_cast %get3A_35 : vector<2048xf32> to vector<2048x1xf32>
    %mul3A_37 = vector.broadcast %broadcast_in_dim3A_36 : vector<2048x1xf32> to vector<2048x128xf32>
    %mul3A_38 = arith.mulf %dot_general3A_31, %mul3A_37 : vector<2048x128xf32>
    %swap3A = arith.constant 0 : index
    %swap3A_39 = arith.constant 0 : index
    %swap3A_40 = vector.load %arg6[%swap3A, %swap3A_39] : memref<2048x128xf32, #tpu.memory_space<vmem>>, vector<2048x128xf32>
    tpu.vector_store %arg6[%swap3A, %swap3A_39], %mul3A_38 {strides = array<i32>} : memref<2048x128xf32, #tpu.memory_space<vmem>>, vector<2048x128xf32>,
    %get3A_41 = arith.constant 0 : index
    %get3A_42 = arith.constant 0 : index
    %get3A_43 = vector.load %arg5[%get3A_41, %get3A_42] : memref<128x2xf32, #tpu.memory_space<vmem>>, vector<128x2xf32>
    %dot_general3A_44 = arith.constant dense<0.000000e+00> : vector<2048x2xf32>
    %dot_general3A_45 = tpu.matmul %select_n3A, %get3A_43, %dot_general3A_44 {dimension_numbers = #tpu.dot_dimension_numbers<[1], [0], [0], [1], [0, 0, 1, 1], [], []>, transpose_lhs_hint = false} : vector<2048x128xf32>, vector<128x2xf32>, vector<2048x2xf32> -> vector<2048x2xf32>
    %slice3A = vector.extract_strided_slice %dot_general3A_45 {offsets = [0, 0], sizes = [2048, 1], strides = [1, 1]} : vector<2048x2xf32> to vector<2048x1xf32>
    %squeeze3A = vector.shape_cast %slice3A : vector<2048x1xf32> to vector<2048xf32>
    %swap3A_46 = arith.constant 0 : index
    %swap3A_47 = vector.load %arg7[%swap3A_46] : memref<2048xf32, #tpu.memory_space<vmem>>, vector<2048xf32>
    tpu.vector_store %arg7[%swap3A_46], %squeeze3A {strides = array<i32>} : memref<2048xf32, #tpu.memory_space<vmem>>, vector<2048xf32>,
    %slice3A_48 = vector.extract_strided_slice %dot_general3A_45 {offsets = [0, 1], sizes = [2048, 1], strides = [1, 1]} : vector<2048x2xf32> to vector<2048x1xf32>
    %squeeze3A_49 = vector.shape_cast %slice3A_48 : vector<2048x1xf32> to vector<2048xf32>
    %swap3A_50 = arith.constant 0 : index
    %swap3A_51 = vector.load %arg8[%swap3A_50] : memref<2048xf32, #tpu.memory_space<vmem>>, vector<2048xf32>
    tpu.vector_store %arg8[%swap3A_50], %squeeze3A_49 {strides = array<i32>} : memref<2048xf32, #tpu.memory_space<vmem>>, vector<2048xf32>,
    return
  }
  func.func @transform_0(%arg0: i32) -> (i32, i32, i32) {
    %c0_i32 = arith.constant 0 : i32
    %c0_i32_0 = arith.constant 0 : i32
    %c0_i32_1 = arith.constant 0 : i32
    return %c0_i32, %arg0, %c0_i32_0 : i32, i32, i32
  }
  func.func @transform_1(%arg0: i32) -> (i32, i32) {
    %c0_i32 = arith.constant 0 : i32
    %c0_i32_0 = arith.constant 0 : i32
    return %c0_i32, %arg0 : i32, i32
  }
  func.func @transform_2(%arg0: i32) -> (i32, i32) {
    %c0_i32 = arith.constant 0 : i32
    %c0_i32_0 = arith.constant 0 : i32
    %c0_i32_1 = arith.constant 0 : i32
    return %c0_i32, %c0_i32_0 : i32, i32
  }
  func.func @transform_3(%arg0: i32) -> (i32, i32) {
    %c0_i32 = arith.constant 0 : i32
    %c0_i32_0 = arith.constant 0 : i32
    %c0_i32_1 = arith.constant 0 : i32
    return %c0_i32, %c0_i32_0 : i32, i32
  }
  func.func @transform_4(%arg0: i32) -> (i32, i32) {
    %c0_i32 = arith.constant 0 : i32
    %c0_i32_0 = arith.constant 0 : i32
    %c0_i32_1 = arith.constant 0 : i32
    return %c0_i32, %c0_i32_0 : i32, i32
  }
  func.func @transform_5(%arg0: i32) -> (i32, i32) {
    %c0_i32 = arith.constant 0 : i32
    %c0_i32_0 = arith.constant 0 : i32
    return %arg0, %c0_i32 : i32, i32
  }
  func.func @transform_6(%arg0: i32) -> i32 {
    %c0_i32 = arith.constant 0 : i32
    return %arg0 : i32
  }
  func.func @transform_7(%arg0: i32) -> i32 {
    %c0_i32 = arith.constant 0 : i32
    return %arg0 : i32
  }
}

module attributes {stable_mosaic.version = 14 : i64} {
  func.func @_tcd_body(%arg0: i32, %arg1: memref<4096x1xi32, #tpu.memory_space<vmem>>, %arg2: memref<4096x1xi32, #tpu.memory_space<vmem>>, %arg3: memref<4096x1xf32, #tpu.memory_space<vmem>>, %arg4: memref<80x128xf32, #tpu.memory_space<vmem>>, %arg5: memref<80x128xf32, #tpu.memory_space<vmem>>, %arg6: memref<1x2xf32, #tpu.memory_space<vmem>>, %arg7: memref<4096x1xf32, #tpu.memory_space<vmem>>) attributes {dimension_semantics = [#tpu.dimension_semantics<arbitrary>], iteration_bounds = array<i64: 80>, scalar_prefetch = 0 : i64, scratch_operands = 0 : i64, tpu.core_type = #tpu.core_type<tc>, window_params = [{transform_indices = @transform_0, window_bounds = array<i64: 4096, 1>}, {transform_indices = @transform_1, window_bounds = array<i64: 4096, 1>}, {transform_indices = @transform_2, window_bounds = array<i64: 4096, 1>}, {pipeline_mode = #tpu.pipeline_mode<synchronous>, transform_indices = @transform_3, window_bounds = array<i64: 80, 128>}, {pipeline_mode = #tpu.pipeline_mode<synchronous>, transform_indices = @transform_4, window_bounds = array<i64: 80, 128>}, {pipeline_mode = #tpu.pipeline_mode<synchronous>, transform_indices = @transform_5, window_bounds = array<i64: 1, 2>}, {transform_indices = @transform_6, window_bounds = array<i64: 4096, 1>}]} {
    %iota3A = tpu.iota {dimensions = array<i32: 1>} : vector<1x128xi32>
    %get3A = arith.constant 0 : index
    %get3A_0 = arith.constant 0 : index
    %get3A_1 = vector.load %arg1[%get3A, %get3A_0] : memref<4096x1xi32, #tpu.memory_space<vmem>>, vector<4096x1xi32>
    %get3A_2 = arith.constant 0 : index
    %get3A_3 = arith.constant 0 : index
    %get3A_4 = vector.load %arg4[%get3A_2, %get3A_3] : memref<80x128xf32, #tpu.memory_space<vmem>>, vector<80x128xf32>
    %shift_right_arithmetic3A = arith.constant 7 : i32
    %shift_right_arithmetic3A_5 = vector.broadcast %shift_right_arithmetic3A : i32 to vector<4096x1xi32>
    %shift_right_arithmetic3A_6 = arith.shrsi %get3A_1, %shift_right_arithmetic3A_5 : vector<4096x1xi32>
    %iota3A_7 = tpu.iota {dimensions = array<i32: 1>} : vector<1x80xi32>
    %eq3A = vector.broadcast %shift_right_arithmetic3A_6 : vector<4096x1xi32> to vector<4096x80xi32>
    %eq3A_8 = vector.broadcast %iota3A_7 : vector<1x80xi32> to vector<4096x80xi32>
    %eq3A_9 = arith.cmpi eq, %eq3A, %eq3A_8 : vector<4096x80xi32>
    %convert_element_type3A = arith.extui %eq3A_9 : vector<4096x80xi1> to vector<4096x80xi32>
    %convert_element_type3A_10 = arith.sitofp %convert_element_type3A : vector<4096x80xi32> to vector<4096x80xf32>
    %dot_general3A = arith.constant dense<0.000000e+00> : vector<4096x128xf32>
    %dot_general3A_11 = tpu.matmul %convert_element_type3A_10, %get3A_4, %dot_general3A {dimension_numbers = #tpu.dot_dimension_numbers<[1], [0], [0], [1], [0, 0, 1, 1], [], []>, transpose_lhs_hint = false} : vector<4096x80xf32>, vector<80x128xf32>, vector<4096x128xf32> -> vector<4096x128xf32>
    %and3A = arith.constant 127 : i32
    %and3A_12 = vector.broadcast %and3A : i32 to vector<4096x1xi32>
    %and3A_13 = arith.andi %get3A_1, %and3A_12 : vector<4096x1xi32>
    %eq3A_14 = vector.broadcast %and3A_13 : vector<4096x1xi32> to vector<4096x128xi32>
    %eq3A_15 = vector.broadcast %iota3A : vector<1x128xi32> to vector<4096x128xi32>
    %eq3A_16 = arith.cmpi eq, %eq3A_14, %eq3A_15 : vector<4096x128xi32>
    %jit3A = arith.constant 0.000000e+00 : f32
    %broadcast_in_dim3A = vector.broadcast %jit3A : f32 to vector<4096x128xf32>
    %select_n3A = arith.select %eq3A_16, %dot_general3A_11, %broadcast_in_dim3A : vector<4096x128xi1>, vector<4096x128xf32>
    %reduce_sum3A = arith.constant dense<0.000000e+00> : vector<4096xf32>
    %reduce_sum3A_17 = vector.multi_reduction <add>, %select_n3A, %reduce_sum3A [1] : vector<4096x128xf32> to vector<4096xf32>
    %broadcast_in_dim3A_18 = vector.shape_cast %reduce_sum3A_17 : vector<4096xf32> to vector<4096x1xf32>
    %get3A_19 = arith.constant 0 : index
    %get3A_20 = arith.constant 0 : index
    %get3A_21 = vector.load %arg2[%get3A_19, %get3A_20] : memref<4096x1xi32, #tpu.memory_space<vmem>>, vector<4096x1xi32>
    %get3A_22 = arith.constant 0 : index
    %get3A_23 = arith.constant 0 : index
    %get3A_24 = vector.load %arg5[%get3A_22, %get3A_23] : memref<80x128xf32, #tpu.memory_space<vmem>>, vector<80x128xf32>
    %shift_right_arithmetic3A_25 = arith.constant 7 : i32
    %shift_right_arithmetic3A_26 = vector.broadcast %shift_right_arithmetic3A_25 : i32 to vector<4096x1xi32>
    %shift_right_arithmetic3A_27 = arith.shrsi %get3A_21, %shift_right_arithmetic3A_26 : vector<4096x1xi32>
    %iota3A_28 = tpu.iota {dimensions = array<i32: 1>} : vector<1x80xi32>
    %eq3A_29 = vector.broadcast %shift_right_arithmetic3A_27 : vector<4096x1xi32> to vector<4096x80xi32>
    %eq3A_30 = vector.broadcast %iota3A_28 : vector<1x80xi32> to vector<4096x80xi32>
    %eq3A_31 = arith.cmpi eq, %eq3A_29, %eq3A_30 : vector<4096x80xi32>
    %convert_element_type3A_32 = arith.extui %eq3A_31 : vector<4096x80xi1> to vector<4096x80xi32>
    %convert_element_type3A_33 = arith.sitofp %convert_element_type3A_32 : vector<4096x80xi32> to vector<4096x80xf32>
    %dot_general3A_34 = arith.constant dense<0.000000e+00> : vector<4096x128xf32>
    %dot_general3A_35 = tpu.matmul %convert_element_type3A_33, %get3A_24, %dot_general3A_34 {dimension_numbers = #tpu.dot_dimension_numbers<[1], [0], [0], [1], [0, 0, 1, 1], [], []>, transpose_lhs_hint = false} : vector<4096x80xf32>, vector<80x128xf32>, vector<4096x128xf32> -> vector<4096x128xf32>
    %and3A_36 = arith.constant 127 : i32
    %and3A_37 = vector.broadcast %and3A_36 : i32 to vector<4096x1xi32>
    %and3A_38 = arith.andi %get3A_21, %and3A_37 : vector<4096x1xi32>
    %eq3A_39 = vector.broadcast %and3A_38 : vector<4096x1xi32> to vector<4096x128xi32>
    %eq3A_40 = vector.broadcast %iota3A : vector<1x128xi32> to vector<4096x128xi32>
    %eq3A_41 = arith.cmpi eq, %eq3A_39, %eq3A_40 : vector<4096x128xi32>
    %jit3A_42 = arith.constant 0.000000e+00 : f32
    %broadcast_in_dim3A_43 = vector.broadcast %jit3A_42 : f32 to vector<4096x128xf32>
    %select_n3A_44 = arith.select %eq3A_41, %dot_general3A_35, %broadcast_in_dim3A_43 : vector<4096x128xi1>, vector<4096x128xf32>
    %reduce_sum3A_45 = arith.constant dense<0.000000e+00> : vector<4096xf32>
    %reduce_sum3A_46 = vector.multi_reduction <add>, %select_n3A_44, %reduce_sum3A_45 [1] : vector<4096x128xf32> to vector<4096xf32>
    %broadcast_in_dim3A_47 = vector.shape_cast %reduce_sum3A_46 : vector<4096xf32> to vector<4096x1xf32>
    %add3A = arith.addf %broadcast_in_dim3A_18, %broadcast_in_dim3A_47 : vector<4096x1xf32>
    %get3A_48 = arith.constant 0 : index
    %get3A_49 = arith.constant 0 : index
    %get3A_50 = vector.load %arg3[%get3A_48, %get3A_49] : memref<4096x1xf32, #tpu.memory_space<vmem>>, vector<4096x1xf32>
    %get3A_51 = arith.constant 0 : index
    %get3A_52 = arith.constant 0 : index
    %get3A_53 = vector.load %arg6[%get3A_51, %get3A_52] : memref<1x2xf32, #tpu.memory_space<vmem>>, vector<1x1xf32>
    %get3A_54 = vector.extract %get3A_53[0, 0] : f32 from vector<1x1xf32>
    %mul3A = vector.broadcast %get3A_54 : f32 to vector<4096x1xf32>
    %mul3A_55 = arith.mulf %get3A_50, %mul3A : vector<4096x1xf32>
    %add3A_56 = arith.addf %add3A, %mul3A_55 : vector<4096x1xf32>
    %get3A_57 = arith.constant 0 : index
    %get3A_58 = arith.constant 1 : index
    %get3A_59 = vector.load %arg6[%get3A_57, %get3A_58] : memref<1x2xf32, #tpu.memory_space<vmem>>, vector<1x1xf32>
    %get3A_60 = vector.extract %get3A_59[0, 0] : f32 from vector<1x1xf32>
    %add3A_61 = vector.broadcast %get3A_60 : f32 to vector<4096x1xf32>
    %add3A_62 = arith.addf %add3A_56, %add3A_61 : vector<4096x1xf32>
    %max3A = arith.constant 0.000000e+00 : f32
    %max3A_63 = vector.broadcast %max3A : f32 to vector<4096x1xf32>
    %max3A_64 = arith.maximumf %add3A_62, %max3A_63 : vector<4096x1xf32>
    %swap3A = arith.constant 0 : index
    %swap3A_65 = arith.constant 0 : index
    %swap3A_66 = vector.load %arg7[%swap3A, %swap3A_65] : memref<4096x1xf32, #tpu.memory_space<vmem>>, vector<4096x1xf32>
    tpu.vector_store %arg7[%swap3A, %swap3A_65], %max3A_64 {strides = array<i32>} : memref<4096x1xf32, #tpu.memory_space<vmem>>, vector<4096x1xf32>,
    return
  }
  func.func @transform_0(%arg0: i32) -> (i32, i32) {
    %c0_i32 = arith.constant 0 : i32
    %c0_i32_0 = arith.constant 0 : i32
    return %arg0, %c0_i32 : i32, i32
  }
  func.func @transform_1(%arg0: i32) -> (i32, i32) {
    %c0_i32 = arith.constant 0 : i32
    %c0_i32_0 = arith.constant 0 : i32
    return %arg0, %c0_i32 : i32, i32
  }
  func.func @transform_2(%arg0: i32) -> (i32, i32) {
    %c0_i32 = arith.constant 0 : i32
    %c0_i32_0 = arith.constant 0 : i32
    return %arg0, %c0_i32 : i32, i32
  }
  func.func @transform_3(%arg0: i32) -> (i32, i32) {
    %c0_i32 = arith.constant 0 : i32
    %c0_i32_0 = arith.constant 0 : i32
    %c0_i32_1 = arith.constant 0 : i32
    return %c0_i32, %c0_i32_0 : i32, i32
  }
  func.func @transform_4(%arg0: i32) -> (i32, i32) {
    %c0_i32 = arith.constant 0 : i32
    %c0_i32_0 = arith.constant 0 : i32
    %c0_i32_1 = arith.constant 0 : i32
    return %c0_i32, %c0_i32_0 : i32, i32
  }
  func.func @transform_5(%arg0: i32) -> (i32, i32) {
    %c0_i32 = arith.constant 0 : i32
    %c0_i32_0 = arith.constant 0 : i32
    %c0_i32_1 = arith.constant 0 : i32
    return %c0_i32, %c0_i32_0 : i32, i32
  }
  func.func @transform_6(%arg0: i32) -> (i32, i32) {
    %c0_i32 = arith.constant 0 : i32
    %c0_i32_0 = arith.constant 0 : i32
    return %arg0, %c0_i32 : i32, i32
  }
}

module attributes {stable_mosaic.version = 14 : i64} {
  func.func @_tcc_body(%arg0: i32, %arg1: memref<2x2048x128xf32, #tpu.memory_space<vmem>>, %arg2: memref<2x2048xf32, #tpu.memory_space<vmem>>, %arg3: memref<1x128xf32, #tpu.memory_space<vmem>>, %arg4: memref<1x128xf32, #tpu.memory_space<vmem>>) attributes {dimension_semantics = [#tpu.dimension_semantics<arbitrary>], iteration_bounds = array<i64: 5>, scalar_prefetch = 0 : i64, scratch_operands = 0 : i64, tpu.core_type = #tpu.core_type<tc>, window_params = [{transform_indices = @transform_0, window_bounds = array<i64: 2, 2048, 128>}, {transform_indices = @transform_1, window_bounds = array<i64: 2, 2048>}, {pipeline_mode = #tpu.pipeline_mode<synchronous>, transform_indices = @transform_2, window_bounds = array<i64: 1, 128>}, {pipeline_mode = #tpu.pipeline_mode<synchronous>, transform_indices = @transform_3, window_bounds = array<i64: 1, 128>}]} {
    %get3A = arith.constant 0 : index
    %get3A_0 = arith.constant 0 : index
    %get3A_1 = arith.constant 0 : index
    %get3A_2 = vector.load %arg1[%get3A, %get3A_0, %get3A_1] : memref<2x2048x128xf32, #tpu.memory_space<vmem>>, vector<1x2048x128xf32>
    %get3A_3 = vector.shape_cast %get3A_2 : vector<1x2048x128xf32> to vector<2048x128xf32>
    %get3A_4 = arith.constant 1 : index
    %get3A_5 = arith.constant 0 : index
    %get3A_6 = arith.constant 0 : index
    %get3A_7 = vector.load %arg1[%get3A_4, %get3A_5, %get3A_6] : memref<2x2048x128xf32, #tpu.memory_space<vmem>>, vector<1x2048x128xf32>
    %get3A_8 = vector.shape_cast %get3A_7 : vector<1x2048x128xf32> to vector<2048x128xf32>
    %add3A = arith.addf %get3A_3, %get3A_8 : vector<2048x128xf32>
    %get3A_9 = arith.constant 1 : index
    %get3A_10 = arith.constant 0 : index
    %get3A_11 = vector.load %arg2[%get3A_9, %get3A_10] : memref<2x2048xf32, #tpu.memory_space<vmem>>, vector<1x2048xf32>
    %get3A_12 = vector.shape_cast %get3A_11 : vector<1x2048xf32> to vector<2048xf32>
    %broadcast_in_dim3A = vector.shape_cast %get3A_12 : vector<2048xf32> to vector<2048x1xf32>
    %mul3A = vector.broadcast %broadcast_in_dim3A : vector<2048x1xf32> to vector<2048x128xf32>
    %mul3A_13 = arith.mulf %add3A, %mul3A : vector<2048x128xf32>
    %get3A_14 = arith.constant 0 : index
    %get3A_15 = arith.constant 0 : index
    %get3A_16 = vector.load %arg3[%get3A_14, %get3A_15] : memref<1x128xf32, #tpu.memory_space<vmem>>, vector<1x128xf32>
    %add3A_17 = vector.broadcast %get3A_16 : vector<1x128xf32> to vector<2048x128xf32>
    %add3A_18 = arith.addf %mul3A_13, %add3A_17 : vector<2048x128xf32>
    %max3A = arith.constant 0.000000e+00 : f32
    %max3A_19 = vector.broadcast %max3A : f32 to vector<2048x128xf32>
    %max3A_20 = arith.maximumf %add3A_18, %max3A_19 : vector<2048x128xf32>
    %mul3A_21 = arith.constant 2048 : i32
    %mul3A_22 = arith.muli %arg0, %mul3A_21 : i32
    %iota3A = tpu.iota {dimensions = array<i32: 0>} : vector<2048x128xi32>
    %add3A_23 = vector.broadcast %mul3A_22 : i32 to vector<2048x128xi32>
    %add3A_24 = arith.addi %add3A_23, %iota3A : vector<2048x128xi32>
    %lt3A = arith.constant 10000 : i32
    %lt3A_25 = vector.broadcast %lt3A : i32 to vector<2048x128xi32>
    %lt3A_26 = arith.cmpi slt, %add3A_24, %lt3A_25 : vector<2048x128xi32>
    %jit3A = arith.constant 0.000000e+00 : f32
    %broadcast_in_dim3A_27 = vector.broadcast %jit3A : f32 to vector<2048x128xf32>
    %select_n3A = arith.select %lt3A_26, %max3A_20, %broadcast_in_dim3A_27 : vector<2048x128xi1>, vector<2048x128xf32>
    %reduce_sum3A = arith.constant dense<0.000000e+00> : vector<128xf32>
    %reduce_sum3A_28 = vector.multi_reduction <add>, %select_n3A, %reduce_sum3A [0] : vector<2048x128xf32> to vector<128xf32>
    %broadcast_in_dim3A_29 = vector.shape_cast %reduce_sum3A_28 : vector<128xf32> to vector<1x128xf32>
    %eq3A = arith.constant 0 : i32
    %eq3A_30 = arith.cmpi eq, %arg0, %eq3A : i32
    %convert_element_type3A = arith.extui %eq3A_30 : i1 to i32
    %cond3A = arith.constant 0 : i32
    %cond3A_31 = arith.cmpi ne, %convert_element_type3A, %cond3A : i32
    scf.if %cond3A_31 {
      %swap3A = arith.constant 0 : index
      %swap3A_41 = arith.constant 0 : index
      %swap3A_42 = vector.load %arg4[%swap3A, %swap3A_41] : memref<1x128xf32, #tpu.memory_space<vmem>>, vector<1x128xf32>
      tpu.vector_store %arg4[%swap3A, %swap3A_41], %broadcast_in_dim3A_29 {strides = array<i32>} : memref<1x128xf32, #tpu.memory_space<vmem>>, vector<1x128xf32>,
    } else {
    }
    %gt3A = arith.constant 0 : i32
    %gt3A_32 = arith.cmpi sgt, %arg0, %gt3A : i32
    %convert_element_type3A_33 = arith.extui %gt3A_32 : i1 to i32
    %cond3A_34 = arith.constant 0 : i32
    %cond3A_35 = arith.cmpi ne, %convert_element_type3A_33, %cond3A_34 : i32
    scf.if %cond3A_35 {
      %get3A_41 = arith.constant 0 : index
      %get3A_42 = arith.constant 0 : index
      %get3A_43 = vector.load %arg4[%get3A_41, %get3A_42] : memref<1x128xf32, #tpu.memory_space<vmem>>, vector<1x128xf32>
      %add3A_44 = arith.addf %get3A_43, %broadcast_in_dim3A_29 : vector<1x128xf32>
      %swap3A = arith.constant 0 : index
      %swap3A_45 = arith.constant 0 : index
      %swap3A_46 = vector.load %arg4[%swap3A, %swap3A_45] : memref<1x128xf32, #tpu.memory_space<vmem>>, vector<1x128xf32>
      tpu.vector_store %arg4[%swap3A, %swap3A_45], %add3A_44 {strides = array<i32>} : memref<1x128xf32, #tpu.memory_space<vmem>>, vector<1x128xf32>,
    } else {
    }
    %eq3A_36 = arith.constant 4 : i32
    %eq3A_37 = arith.cmpi eq, %arg0, %eq3A_36 : i32
    %convert_element_type3A_38 = arith.extui %eq3A_37 : i1 to i32
    %cond3A_39 = arith.constant 0 : i32
    %cond3A_40 = arith.cmpi ne, %convert_element_type3A_38, %cond3A_39 : i32
    scf.if %cond3A_40 {
      %get3A_41 = arith.constant 0 : index
      %get3A_42 = arith.constant 0 : index
      %get3A_43 = vector.load %arg4[%get3A_41, %get3A_42] : memref<1x128xf32, #tpu.memory_space<vmem>>, vector<1x128xf32>
      %mul3A_44 = arith.constant 9.99999974E-5 : f32
      %mul3A_45 = vector.broadcast %mul3A_44 : f32 to vector<1x128xf32>
      %mul3A_46 = arith.mulf %get3A_43, %mul3A_45 : vector<1x128xf32>
      %swap3A = arith.constant 0 : index
      %swap3A_47 = arith.constant 0 : index
      %swap3A_48 = vector.load %arg4[%swap3A, %swap3A_47] : memref<1x128xf32, #tpu.memory_space<vmem>>, vector<1x128xf32>
      tpu.vector_store %arg4[%swap3A, %swap3A_47], %mul3A_46 {strides = array<i32>} : memref<1x128xf32, #tpu.memory_space<vmem>>, vector<1x128xf32>,
    } else {
    }
    return
  }
  func.func @transform_0(%arg0: i32) -> (i32, i32, i32) {
    %c0_i32 = arith.constant 0 : i32
    %c0_i32_0 = arith.constant 0 : i32
    %c0_i32_1 = arith.constant 0 : i32
    return %c0_i32, %arg0, %c0_i32_0 : i32, i32, i32
  }
  func.func @transform_1(%arg0: i32) -> (i32, i32) {
    %c0_i32 = arith.constant 0 : i32
    %c0_i32_0 = arith.constant 0 : i32
    return %c0_i32, %arg0 : i32, i32
  }
  func.func @transform_2(%arg0: i32) -> (i32, i32) {
    %c0_i32 = arith.constant 0 : i32
    %c0_i32_0 = arith.constant 0 : i32
    %c0_i32_1 = arith.constant 0 : i32
    return %c0_i32, %c0_i32_0 : i32, i32
  }
  func.func @transform_3(%arg0: i32) -> (i32, i32) {
    %c0_i32 = arith.constant 0 : i32
    %c0_i32_0 = arith.constant 0 : i32
    %c0_i32_1 = arith.constant 0 : i32
    return %c0_i32, %c0_i32_0 : i32, i32
  }
}

</mosaic_0001>

<sc_bundles>
// kernel: kernel.12.cloned.1.call-start
scs
__scs_entry_jumppad:
0x0: {  	(pc) =	sbr.rel $0x88, $3  }
0x1: {  	(tag) =	ssettag $0x0;
	lr =	simm.s32 $0x1  }
0x2: {  	[smem:$0x3F98] =	sst lr;
	_ =	strace $0xD0000000  }
0x3: {  	_ = 	snop  }
0x4: {  	_ = 	snop  }
0x5: {  	_ = 	snop  }
0x6: {  	_ = 	snop  }
0x7: {  	_ = 	snop  }
__scs_overlays_trampoline_lowered:
0x8: {  	[smem:$0x3FA7] =	sst s0  }
0x9: {  	[smem:$0x3FA8] =	sst s1  }
0xa: {  	[smem:$0x3FA9] =	sst s2  }
0xb: {  	[smem:$0x3FAA] =	sst s3  }
0xc: {  	[smem:$0x3FAB] =	sst s4  }
0xd: {  	[smem:$0x3FAC] =	sst s5  }
0xe: {  	[smem:$0x3FAD] =	sst s6  }
0xf: {  	[smem:$0x3FAE] =	sst s7  }
0x10: {  	[smem:$0x3FAF] =	sst s8  }
0x11: {  	[smem:$0x3FB0] =	sst s9;
	s0 =	simm.s32 @!p0 $0x0  }
0x12: {  	s1 =	sld [smem:$0x3F96];
	s0 =	simm.s32 @p0 $0x1  }
0x13: {  	[smem:$0x3FB1] =	sst s0;
	s0 =	simm.s32 @!p1 $0x0  }
0x14: {  	s2 =	sld [smem:$0x3F95];
	s0 =	simm.s32 @p1 $0x1  }
0x15: {  	[smem:$0x3FB2] =	sst s0;
	s0 =	simm.s32 @!p2 $0x0  }
0x16: {  	s3 =	sld [smem:$0x3FDB];
	s0 =	simm.s32 @p2 $0x1  }
0x17: {  	s4 =	simm.s32 $0x1BF5;
	[smem:$0x3FB4] =	sst s0  }
0x18: {  	s0 =	sld [smem:$0x3F97];
	_ =	swait.ge [sflag:s4], $0x0  }
0x19: {  	s7 =	sld [smem:$0x3F98]  }
0x1a: {  	s8 =	sadd.s32 $0xFFFFE003, lr  }
0x1b: {  	s9 =	sadd.s32 $0xFFFFFEF7, lr;
	s5 =	simm.s32 $0xFFFFFFFF;
	p2 =	slt.u32 s8, $0xFFFFF086  }
0x1c: {  	p1 =	slt.u32 s9, $0xF7A;
	s5 =	simm.s32 @!p2 $0x0  }
0x1d: {  	s5 =	simm.s32 @p1 $0x1;
	p0 =	seq.s32 s7, s2  }
0x1e: {  	s7 =	smul.u32 @!p0 $0xF7A, s2;
	p2 =	seq.s32 @!p0 s5, $0x0  }
0x1f: {  	s9 =	smul.u32 $0xF7A, s1;
	s8 =	simm.s32 @!p0 $0x1BF5;
	p2 =	por !p2, p0  }
0x20: {  	[sflag:s8] =	ssyncset.s32 @!p0 $0xFFFFF086;
	s6 =	sadd.s32 @!p0 s3, s7;
	s7 =	simm.s32 @!p0 $0x108  }
0x21: {  	s3 =	sadd.s32 s3, s9;
	s6 =	sadd.s32 @!p0 $0x88, s6;
	s7 =	simm.s32 @p2 $0x1082  }
0x22: {  	[simem:s7], [sflag:s8] =	dma.local @!p0 [hbm:s6], $0xF7A  }
0x23: {  	s9 =	sor.u32 $0xD0000000, s2;
	s6 =	simm.s32 $0x108;
	_ =	swait.ge @!p0 [sflag:s8], $0x0  }
0x24: {  	s3 =	sadd.s32 $0x88, s3;
	s6 =	simm.s32 @!p1 $0x1082;
	[sflag:s4] =	ssyncset.s32 $0xFFFFF086  }
0x25: {  	[simem:s6], [sflag:s4] =	dma.local [hbm:s3], $0xF7A  }
0x26: {  	[smem:$0x3F98] =	sst s1;
	(tag) =	ssettag s2;
	_ =	strace s9  }
0x27: {  	s1 =	sld [smem:$0x3FA8]  }
0x28: {  	s2 =	sld [smem:$0x3FA9]  }
0x29: {  	s4 =	sld [smem:$0x3FAB]  }
0x2a: {  	p0 =	seq.s32 s5, $0x0;
	s5 =	sld [smem:$0x3FAC]  }
0x2b: {  	s6 =	sld [smem:$0x3FAD]  }
0x2c: {  	s7 =	sld [smem:$0x3FAE]  }
0x2d: {  	s3 =	simm.s32 $0x108;
	s8 =	sld [smem:$0x3FAF]  }
0x2e: {  	s3 =	simm.s32 @!p0 $0x1082;
	s9 =	sld [smem:$0x3FB0]  }
0x2f: {  	lr =	sadd.s32 s0, s3;
	s0 =	sld [smem:$0x3FA7]  }
0x30: {  	s3 =	sld [smem:$0x3FAA]  }
0x31: {  	[smem:$0x3FB3] =	sst s10  }
0x32: {  	s10 =	sld [smem:$0x3FB1];
	_ =	sdelay $0x3  }
0x33: {  	p0 =	seq.s32 s10, $0x1;
	s10 =	sld [smem:$0x3FB3];
	_ =	sdelay $0x3  }
0x34: {  	[smem:$0x3FB3] =	sst s10  }
0x35: {  	s10 =	sld [smem:$0x3FB2];
	_ =	sdelay $0x3  }
0x36: {  	p1 =	seq.s32 s10, $0x1;
	s10 =	sld [smem:$0x3FB3];
	_ =	sdelay $0x3  }
0x37: {  	[smem:$0x3FB3] =	sst s10  }
0x38: {  	s10 =	sld [smem:$0x3FB4]  }
0x39: {  	_ = 	snop;
	(pc) =	sbr.ind lr, $3  }
0x3a: {  	_ = 	snop  }
0x3b: {  	_ = 	snop  }
0x3c: {  	p2 =	seq.s32 s10, $0x1;
	s10 =	sld [smem:$0x3FB3]  }
0x3d: {  	_ =	shalt  }
0x3e: {  	_ =	shalt  }
0x3f: {  	_ =	shalt  }
0x40: {  	_ =	shalt  }
0x41: {  	_ =	shalt  }
0x42: {  	_ =	shalt  }
0x43: {  	_ =	shalt  }
0x44: {  	_ =	shalt  }
0x45: {  	_ =	shalt  }
0x46: {  	_ =	shalt  }
0x47: {  	_ =	shalt  }
0x48: {  	_ =	shalt  }
0x49: {  	_ =	shalt  }
0x4a: {  	_ =	shalt  }
0x4b: {  	_ =	shalt  }
0x4c: {  	_ =	shalt  }
0x4d: {  	_ =	shalt  }
0x4e: {  	_ =	shalt  }
0x4f: {  	_ =	shalt  }
0x50: {  	_ =	shalt  }
0x51: {  	_ =	shalt  }
0x52: {  	_ =	shalt  }
0x53: {  	_ =	shalt  }
0x54: {  	_ =	shalt  }
0x55: {  	_ =	shalt  }
0x56: {  	_ =	shalt  }
0x57: {  	_ =	shalt  }
0x58: {  	_ =	shalt  }
0x59: {  	_ =	shalt  }
0x5a: {  	_ =	shalt  }
0x5b: {  	_ =	shalt  }
0x5c: {  	_ =	shalt  }
0x5d: {  	_ =	shalt  }
0x5e: {  	_ =	shalt  }
0x5f: {  	_ =	shalt  }
0x60: {  	_ =	shalt  }
0x61: {  	_ =	shalt  }
0x62: {  	_ =	shalt  }
0x63: {  	_ =	shalt  }
0x64: {  	_ =	shalt  }
0x65: {  	_ =	shalt  }
0x66: {  	_ =	shalt  }
0x67: {  	_ =	shalt  }
0x68: {  	_ =	shalt  }
0x69: {  	_ =	shalt  }
0x6a: {  	_ =	shalt  }
0x6b: {  	_ =	shalt  }
0x6c: {  	_ =	shalt  }
0x6d: {  	_ =	shalt  }
0x6e: {  	_ =	shalt  }
0x6f: {  	_ =	shalt  }
0x70: {  	_ =	shalt  }
0x71: {  	_ =	shalt  }
0x72: {  	_ =	shalt  }
0x73: {  	_ =	shalt  }
0x74: {  	_ =	shalt  }
0x75: {  	_ =	shalt  }
0x76: {  	_ =	shalt  }
0x77: {  	_ =	shalt  }
0x78: {  	_ =	shalt  }
0x79: {  	_ =	shalt  }
0x7a: {  	_ =	shalt  }
0x7b: {  	_ =	shalt  }
0x7c: {  	_ =	shalt  }
0x7d: {  	_ =	shalt  }
0x7e: {  	_ =	shalt  }
0x7f: {  	_ =	shalt  }
0x80: {  	_ =	shalt  }
0x81: {  	_ =	shalt  }
0x82: {  	_ =	shalt  }
0x83: {  	_ =	shalt  }
0x84: {  	_ =	shalt  }
0x85: {  	_ =	shalt  }
0x86: {  	_ =	shalt  }
0x87: {  	_ =	shalt  }
.Lfunc_end0:
.L_simem_size_0:
called_computation.1_lowered:
.L_overlay_start_0:
0x88: {  	s2 =	sld [smem:$0x3FD9]  }
0x89: {  	s3 =	sld [smem:$0x3FFE];
	_ =	sdelay $0x1  }
0x8a: {  	s1 =	srdreg.scid  }
0x8b: {  	s0 =	sand.u32 $0x1, s1  }
0x8c: {  	s16 =	sshll.u32 s0, $0xA;
	s2 =	sadd.s32 s3, s2  }
0x8d: {  	s2 =	sadd.s32 s2, s16  }
0x8e: {  	[smem:$0x3FBF] =	sst s2  }
0x8f: {  	_ = 	snop  }
0x90: {  	(tm) =	ssettm $0x1  }
0x91: {  	s17 =	sld [smem:$0x3FFB];
	_ =	sdelay $0x3  }
0x92: {  	_ =	strace s17  }
0x93: {  	s2 =	sld [smem:$0x3FFC];
	_ =	sdelay $0x3  }
0x94: {  	_ =	strace s2  }
0x95: {  	s2 =	sld [smem:$0x3FFD];
	_ =	sdelay $0x3  }
0x96: {  	_ =	strace s2  }
0x97: {  	_ =	strace $0x8FFFFFFF  }
0x98: {  	s18 =	sld [smem:$0x3FDB];
	_ =	sdelay $0x1  }
0x99: {  	s19 =	simm.s32 $_scs_section_size  }
0x9a: {  	s4 =	simm.s32 $_size__tile_overlayer_lowered;
	s5 =	simm.s32 $_tile_overlayer_lowered  }
0x9b: {  	s22 =	simm.s32 $0x1BFF;
	s21 =	sshll.u32 s5, $0x1;
	s2 =	sadd.s32 s19, s18  }
0x9c: {  	s6 =	simm.s32 $0x0;
	s20 =	sshll.u32 s4, $0x1;
	s4 =	sadd.s32 s21, s2  }
0x9d: {  	[timem:s6], [sflag:s22] =	dma.local [hbm:s4], s20  }
0x9e: {  	_ =	swait.ge [sflag:s22], s20  }
0x9f: {  	s3 =	ssub.s32 $0x0, s20;
	[sflag:s22] =	ssyncset.done $0x0  }
0xa0: {  	[sflag:s22] =	ssyncadd.s32 s3;
	_ =	sdelay $0x1  }
0xa1: {  	s23 =	simm.s32 $0x1B8B  }
0xa2: {  	_ =	swait.ge [sflag:s23], $0x1  }
0xa3: {  	[sflag:s23] =	ssyncset.done $0x0  }
0xa4: {  	s25 =	simm.s32 $0x1B8E;
	s24 =	sld [smem:$0x3FFE];
	[sflag:s23] =	ssyncadd.s32 $0xFFFFFFFF  }
0xa5: {  	s26 =	simm.s32 $execute0_lowered;
	[smem:$0x3FD2] =	sst s25  }
0xa6: {  	s4 =	sshll.u32 s26, $0x1;
	_ =	strace $0x80000049;
	[dreg:$0x1] =	wrdreg $0xFFFFFFFF  }
0xa7: {  	s28 =	simm.s32 $_size_execute0_lowered;
	s2 =	sadd.s32 s2, s4;
	[dreg:$0x0] =	wrdreg $0x0  }
0xa8: {  	s4 =	sshll.u32 s28, $0x1;
	[dreg:$0x2] =	wrdreg s2  }
0xa9: {  	[dreg:$0x3] =	wrdreg s4  }
0xaa: {  	[dreg:$0x4] =	wrdreg $0xC0  }
0xab: {  	_ =	task [dreg:s6], $0x5FFFF  }
0xac: {  	[dreg:$0x1] =	wrdreg $0xFFFFFFFF  }
0xad: {  	[dreg:$0x0] =	wrdreg $0x60  }
0xae: {  	[dreg:$0x2] =	wrdreg s24  }
0xaf: {  	[dreg:$0x3] =	wrdreg $0x90000  }
0xb0: {  	[dreg:$0x4] =	wrdreg $0x9  }
0xb1: {  	_ =	task.clear_ibuf [dreg:s6], $0x5FFFF;
	_ =	strace $0x90000049  }
0xb2: {  	s29 =	simm.s32 $0x9;
	_ =	strace $0x8000004B  }
0xb3: {  	_ =	swait.ge [sflag:s29], $0x1  }
0xb4: {  	[sflag:s29] =	ssyncadd.s32 $0xFFFFFFFF  }
0xb5: {  	_ =	strace $0x9000004B  }
0xb6: {  	_ =	sfence  }
0xb7: {  	s30 =	sld [smem:$0x0];
	_ =	sdelay $0x2  }
0xb8: {  	s31 =	sshll.u32 s1, $0xD;
	s1 =	sshrl.u32 s1, $0x2  }
0xb9: {  	s3 =	sand.u32 $0x4000, s31;
	s1 =	sadd.s32 s1, s30  }
0xba: {  	s0 =	sor.u32 s3, s0;
	s1 =	sshll.u32 s1, $0x11  }
0xbb: {  	s0 =	sor.u32 s1, s0  }
0xbc: {  	s0 =	sadd.s32 $0x8F2B, s0  }
0xbd: {  	[sflag:s0] =	ssyncadd.remote.s32 $0x1  }
0xbe: {  	_ =	sfence.sel $0xFFFF  }
0xbf: {  	[dreg:$0x0] =	wrdreg $0xFFFFFFFF;
	(pc) =	sbr.abs _section_cstart, $3  }
0xc0: {  	[dreg:$0x1] =	wrdreg $0xFFFFFFFF  }
0xc1: {  	_ =	task.clear_ibuf [dreg:s6], $0x2FFFF;
	_ =	strace $0x9FFFFFFF  }
0xc2: {  	(tm) =	ssettm $0x7FFFFFFF  }
0xc3: {  	_ =	shalt  }
tec
execute0_lowered:
.L_overlay_start_1:
0x0: {  	(tag) =	ssettag $0x1  }
0x1: {  	s7 =	rddreg [dreg:$0x0]  }
0x2: {  	s0 =	srdreg.scid;
	s2 =	rddreg [dreg:$0x1];
	s3 =	simm.s32 $0x0  }
0x3: {  	s15 =	simm.s32 $0x5000;
	s16 =	simm.s32 $0x2;
	s17 =	simm.s32 $0x2800  }
0x4: {  	s18 =	simm.s32 $0x80;
	s19 =	simm.s32 $0x1;
	s6 =	sand.u32 $0x1, s0  }
0x5: {  	s22 =	simm.s32 $0x0;
	s0 =	stileid.u32;
	s9 =	smul.u32 $0x140000, s6  }
0x6: {  	[smem:$0x7FF] =	sst s3;
	s5 =	sadd.s32 $0xA3EE00, s7;
	s10 =	smul.u32 $0x14000, s0  }
0x7: {  	s1 =	sshll.u32 s6, $0x4;
	s11 =	smul.u32 $0x50000, s0;
	s29 =	ssub.s32 $0x2, s6  }
0x8: {  	s20 =	sshll.u32 s0, $0x6;
	s4 =	sor.u32 s0, s1;
	s1 =	rddreg [dreg:$0x2]  }
0x9: {  	_ =	strace $0x8000004A;
	s31 =	sshrl.u32 s29, $0x1;
	s20 =	sor.u32 $0x1C02, s20  }
0xa: {  	s8 =	smul.u32 $0x500, s4;
	s4 =	sadd.s32 $0xA16400, s7;
	s30 =	sshrl.u32 s11, $0x2  }
0xb: {  	s28 =	sadd.s32 s10, s9;
	s14 =	ssub.s32 s29, s31;
	s6 =	sadd.s32 s30, s2  }
0xc: {  	s14 =	smax.u32 s14, $0x1;
	s12 =	sadd.s32 s8, s7;
	s8 =	sshrl.u32 s28, $0x3  }
0xd: {  	s9 =	sadd.s32 $0xC000, s6;
	s10 =	sadd.s32 $0x10000, s6;
	s13 =	sadd.s32 s8, s7  }
0xe: {  	s7 =	sadd.s32 $0x4000, s6;
	s8 =	sadd.s32 $0x8000, s6;
	s11 =	sadd.s32 $0x2400, s12  }
0xf: {  	s21 =	sshrl.u32 s6, $0x3;
	s12 =	sadd.s32 $0x50C400, s12;
	s13 =	sadd.s32 $0xA3F600, s13  }
.LBB2_1:
0x10: {  	[tilespmem:s15], [sflag:$0x2] =	stream.linear.gather [hbm4b:s5+s3], $0x4000, $0x38;
	[tilespmem:$0x1D000] =	vst v63  }
0x11: {  	_ =	swait.ge [sflag:s16], $0x4000  }
0x12: {  	[sflag:s16] =	ssyncset.done $0x0  }
0x13: {  	[sflag:s16] =	ssyncadd.s32 $0xFFFFC000  }
0x14: {  	[spmem:s6] =	stream.linear.scatter [tilespmem:s15], [sflag:$0x2], $0x4000, $0x38;
	[tilespmem:$0x1D000] =	vst v63  }
0x15: {  	_ =	swait.ge [sflag:s16], $0x4000  }
0x16: {  	[sflag:s16] =	ssyncset.done $0x0  }
0x17: {  	[sflag:s16] =	ssyncadd.s32 $0xFFFFC000  }
0x18: {  	[spmem:s7] =	stream.linear.scatter [tilespmem:s15], [sflag:$0x2], $0x4000, $0x38;
	[tilespmem:$0x1D000] =	vst v63  }
0x19: {  	_ =	swait.ge [sflag:s16], $0x4000  }
0x1a: {  	[sflag:s16] =	ssyncset.done $0x0  }
0x1b: {  	[sflag:s16] =	ssyncadd.s32 $0xFFFFC000  }
0x1c: {  	[spmem:s8] =	stream.linear.scatter [tilespmem:s15], [sflag:$0x2], $0x4000, $0x38;
	[tilespmem:$0x1D000] =	vst v63  }
0x1d: {  	_ =	swait.ge [sflag:s16], $0x4000  }
0x1e: {  	[sflag:s16] =	ssyncset.done $0x0  }
0x1f: {  	[sflag:s16] =	ssyncadd.s32 $0xFFFFC000  }
0x20: {  	[spmem:s9] =	stream.linear.scatter [tilespmem:s15], [sflag:$0x2], $0x4000, $0x38;
	[tilespmem:$0x1D000] =	vst v63  }
0x21: {  	_ =	swait.ge [sflag:s16], $0x4000  }
0x22: {  	[sflag:s16] =	ssyncset.done $0x0  }
0x23: {  	[sflag:s16] =	ssyncadd.s32 $0xFFFFC000  }
0x24: {  	[spmem:s10] =	stream.linear.scatter [tilespmem:s15], [sflag:$0x2], $0x4000, $0x38;
	[tilespmem:$0x1D000] =	vst v63  }
0x25: {  	_ =	swait.ge [sflag:s16], $0x4000  }
0x26: {  	[sflag:s16] =	ssyncset.done $0x0  }
0x27: {  	[sflag:s16] =	ssyncadd.s32 $0xFFFFC000  }
0x28: {  	[tilespmem:s3], [sflag:$0x2] =	stream.linear.gather [hbm4b:s11+s3], $0x2800, $0x38;
	[tilespmem:$0x1D000] =	vst v63  }
0x29: {  	_ =	swait.ge [sflag:s16], $0x2800  }
0x2a: {  	[sflag:s16] =	ssyncset.done $0x0  }
0x2b: {  	[sflag:s16] =	ssyncadd.s32 $0xFFFFD800  }
0x2c: {  	[tilespmem:s17], [sflag:$0x2] =	stream.linear.gather [hbm4b:s12+s3], $0x2800, $0x38;
	[tilespmem:$0x1D000] =	vst v63  }
0x2d: {  	_ =	swait.ge [sflag:s16], $0x2800  }
0x2e: {  	[sflag:s16] =	ssyncset.done $0x0  }
0x2f: {  	[sflag:s16] =	ssyncadd.s32 $0xFFFFD800  }
0x30: {  	s23 =	simm.s32 $0x0;
	[bflag:$0x0] =	sbarrier.arrive $0xFFFF  }
0x31: {  	[tilespmem:s15], [sflag:$0x1] =	stream.indirect.gather [hbm4b:s4+s18], $0x80, s23, s18, $0xb8;
	[tilespmem:$0x1D000] =	vst v63  }
0x32: {  	_ =	swait.ge [sflag:s19], $0x4000  }
0x33: {  	[sflag:s19] =	ssyncset.done $0x0  }
0x34: {  	s31 =	simm.s32 $0x2800;
	[sflag:s19] =	ssyncadd.s32 $0xFFFFC000  }
0x35: {  	[spmem:s2] =	stream.indirect.scatter.add.f32 [tilespmem:s15], [sflag:$0x2], $0x80, s31, s18, $0xb8;
	[tilespmem:$0x1D000] =	vst v63  }
0x36: {  	_ =	swait.ge [sflag:s16], $0x4000  }
0x37: {  	s24 =	simm.s32 $0x400;
	s23 =	simm.s32 $0x200;
	[sflag:s16] =	ssyncset.done $0x0  }
.LBB2_2:
0x38: {  	s25 =	sshra.s32 s23, $0x2  }
0x39: {  	[sflag:s16] =	ssyncadd.s32 $0xFFFFC000;
	s23 =	smov.u32 s24;
	s26 =	sadd.s32 $0x200, s24  }
0x3a: {  	[tilespmem:s15], [sflag:$0x1] =	stream.indirect.gather [hbm4b:s4+s18], $0x80, s25, s18, $0xb8;
	[tilespmem:$0x1D000] =	vst v63  }
0x3b: {  	p0 =	sne.s32 s24, $0x9E00;
	_ =	swait.ge [sflag:s19], $0x4000  }
.Ltmp0:
0x3c: {  	[sflag:s19] =	ssyncset.done $0x0;
	(pc) =	sbr.rel @p0 .LBB2_2-.Ltmp0, $4  }
0x3d: {  	s24 =	sadd.s32 $0x2800, s25;
	[sflag:s19] =	ssyncadd.s32 $0xFFFFC000  }
0x3e: {  	[spmem:s2] =	stream.indirect.scatter.add.f32 [tilespmem:s15], [sflag:$0x2], $0x80, s24, s18, $0xb8;
	[tilespmem:$0x1D000] =	vst v63  }
0x3f: {  	_ =	swait.ge [sflag:s16], $0x4000  }
0x40: {  	s24 =	smov.u32 s26;
	[sflag:s16] =	ssyncset.done $0x0  }
0x41: {  	s23 =	sshra.s32 s23, $0x2;
	[sflag:s16] =	ssyncadd.s32 $0xFFFFC000  }
0x42: {  	[tilespmem:s15], [sflag:$0x1] =	stream.indirect.gather [hbm4b:s4+s18], $0x80, s23, s18, $0xb8;
	[tilespmem:$0x1D000] =	vst v63  }
0x43: {  	_ =	swait.ge [sflag:s19], $0x4000  }
0x44: {  	[sflag:s19] =	ssyncset.done $0x0  }
0x45: {  	s23 =	sadd.s32 $0x2800, s23;
	[sflag:s19] =	ssyncadd.s32 $0xFFFFC000  }
0x46: {  	[spmem:s2] =	stream.indirect.scatter.add.f32 [tilespmem:s15], [sflag:$0x2], $0x80, s23, s18, $0xb8;
	[tilespmem:$0x1D000] =	vst v63  }
0x47: {  	_ =	swait.ge [sflag:s16], $0x4000  }
0x48: {  	s22 =	sadd.s32 $0x1, s22;
	[sflag:s16] =	ssyncset.done $0x0  }
0x49: {  	p0 =	sne.s32 s22, s14;
	[sflag:s16] =	ssyncadd.s32 $0xFFFFC000  }
.Ltmp1:
0x4a: {  	[bflag:$0x0] =	sbarrier.arrive $0xFFFF;
	(pc) =	sbr.rel @p0 .LBB2_1-.Ltmp1, $4  }
0x4b: {  	[hbm:s13], [sflag:s20] =	dma.local [spmem:s21], $0x2800  }
0x4c: {  	_ =	swait.ge [sflag:s16], $0x2800  }
0x4d: {  	[sflag:s16] =	ssyncset.done $0x0  }
0x4e: {  	[sflag:s16] =	ssyncadd.s32 $0xFFFFD800  }
0x4f: {  	_ =	sfence.sel $0x180000  }
0x50: {  	[bflag:$0x0] =	sbarrier.arrive $0xFFFF  }
0x51: {  	p0 =	sne.s32 s0, $0x0;
	_ =	strace $0x9000004A  }
0x52: {  	s0 =	sadd.s32 @!p0 $0x100000, s1;
	[bflag:$0x2] =	sbarrier.arrive $0xFFFF  }
0x53: {  	[sflag:s0] =	ssyncadd.tile.s32 @!p0 $0x1;
	_ =	shalt  }
.Lfunc_end2:
_tile_overlayer_lowered:
.L_overlay_start_2:
0x54: {  	(tag) =	ssettag $0x2  }
0x55: {  	s0 =	rddreg [dreg:$0x0];
	s2 =	stileid.u32  }
0x56: {  	s1 =	rddreg [dreg:$0x1];
	p0 =	sne.s32 s2, $0x0  }
0x57: {  	s3 =	rddreg [dreg:$0x2];
	[bflag:$0x3] =	sbarrier.arrive $0xFFFF;
	s2 =	simm.s32 @!p0 $0x1C02  }
0x58: {  	[timem:s3], [sflag:s2] =	dma.local @!p0 [hbm:s0], s1  }
0x59: {  	s0 =	simm.s32 @!p0 $0x2  }
0x5a: {  	_ =	swait.ge @!p0 [sflag:s0], s1  }
0x5b: {  	s1 =	ssub.s32 @!p0 $0x0, s1;
	[sflag:s0] =	ssyncset.done @!p0 $0x0  }
0x5c: {  	[sflag:s0] =	ssyncadd.s32 @!p0 s1  }
0x5d: {  	[bflag:$0x3] =	sbarrier.arrive $0xFFFF  }
0x5e: {  	_ =	shalt  }

// kernel: kernel.9.cloned.1.call-start
scs
__scs_entry_jumppad:
0x0: {  	(pc) =	sbr.rel $0x88, $3  }
0x1: {  	(tag) =	ssettag $0x0;
	lr =	simm.s32 $0x1  }
0x2: {  	[smem:$0x3F98] =	sst lr;
	_ =	strace $0xD0000000  }
0x3: {  	_ = 	snop  }
0x4: {  	_ = 	snop  }
0x5: {  	_ = 	snop  }
0x6: {  	_ = 	snop  }
0x7: {  	_ = 	snop  }
__scs_overlays_trampoline_lowered:
0x8: {  	[smem:$0x3FA7] =	sst s0  }
0x9: {  	[smem:$0x3FA8] =	sst s1  }
0xa: {  	[smem:$0x3FA9] =	sst s2  }
0xb: {  	[smem:$0x3FAA] =	sst s3  }
0xc: {  	[smem:$0x3FAB] =	sst s4  }
0xd: {  	[smem:$0x3FAC] =	sst s5  }
0xe: {  	[smem:$0x3FAD] =	sst s6  }
0xf: {  	[smem:$0x3FAE] =	sst s7  }
0x10: {  	[smem:$0x3FAF] =	sst s8  }
0x11: {  	[smem:$0x3FB0] =	sst s9;
	s0 =	simm.s32 @!p0 $0x0  }
0x12: {  	s1 =	sld [smem:$0x3F96];
	s0 =	simm.s32 @p0 $0x1  }
0x13: {  	[smem:$0x3FB1] =	sst s0;
	s0 =	simm.s32 @!p1 $0x0  }
0x14: {  	s2 =	sld [smem:$0x3F95];
	s0 =	simm.s32 @p1 $0x1  }
0x15: {  	[smem:$0x3FB2] =	sst s0;
	s0 =	simm.s32 @!p2 $0x0  }
0x16: {  	s3 =	sld [smem:$0x3FDB];
	s0 =	simm.s32 @p2 $0x1  }
0x17: {  	s4 =	simm.s32 $0x1BF5;
	[smem:$0x3FB4] =	sst s0  }
0x18: {  	s0 =	sld [smem:$0x3F97];
	_ =	swait.ge [sflag:s4], $0x0  }
0x19: {  	s7 =	sld [smem:$0x3F98]  }
0x1a: {  	s8 =	sadd.s32 $0xFFFFE003, lr  }
0x1b: {  	s9 =	sadd.s32 $0xFFFFFEF7, lr;
	s5 =	simm.s32 $0xFFFFFFFF;
	p2 =	slt.u32 s8, $0xFFFFF086  }
0x1c: {  	p1 =	slt.u32 s9, $0xF7A;
	s5 =	simm.s32 @!p2 $0x0  }
0x1d: {  	s5 =	simm.s32 @p1 $0x1;
	p0 =	seq.s32 s7, s2  }
0x1e: {  	s7 =	smul.u32 @!p0 $0xF7A, s2;
	p2 =	seq.s32 @!p0 s5, $0x0  }
0x1f: {  	s9 =	smul.u32 $0xF7A, s1;
	s8 =	simm.s32 @!p0 $0x1BF5;
	p2 =	por !p2, p0  }
0x20: {  	[sflag:s8] =	ssyncset.s32 @!p0 $0xFFFFF086;
	s6 =	sadd.s32 @!p0 s3, s7;
	s7 =	simm.s32 @!p0 $0x108  }
0x21: {  	s3 =	sadd.s32 s3, s9;
	s6 =	sadd.s32 @!p0 $0x88, s6;
	s7 =	simm.s32 @p2 $0x1082  }
0x22: {  	[simem:s7], [sflag:s8] =	dma.local @!p0 [hbm:s6], $0xF7A  }
0x23: {  	s9 =	sor.u32 $0xD0000000, s2;
	s6 =	simm.s32 $0x108;
	_ =	swait.ge @!p0 [sflag:s8], $0x0  }
0x24: {  	s3 =	sadd.s32 $0x88, s3;
	s6 =	simm.s32 @!p1 $0x1082;
	[sflag:s4] =	ssyncset.s32 $0xFFFFF086  }
0x25: {  	[simem:s6], [sflag:s4] =	dma.local [hbm:s3], $0xF7A  }
0x26: {  	[smem:$0x3F98] =	sst s1;
	(tag) =	ssettag s2;
	_ =	strace s9  }
0x27: {  	s1 =	sld [smem:$0x3FA8]  }
0x28: {  	s2 =	sld [smem:$0x3FA9]  }
0x29: {  	s4 =	sld [smem:$0x3FAB]  }
0x2a: {  	p0 =	seq.s32 s5, $0x0;
	s5 =	sld [smem:$0x3FAC]  }
0x2b: {  	s6 =	sld [smem:$0x3FAD]  }
0x2c: {  	s7 =	sld [smem:$0x3FAE]  }
0x2d: {  	s3 =	simm.s32 $0x108;
	s8 =	sld [smem:$0x3FAF]  }
0x2e: {  	s3 =	simm.s32 @!p0 $0x1082;
	s9 =	sld [smem:$0x3FB0]  }
0x2f: {  	lr =	sadd.s32 s0, s3;
	s0 =	sld [smem:$0x3FA7]  }
0x30: {  	s3 =	sld [smem:$0x3FAA]  }
0x31: {  	[smem:$0x3FB3] =	sst s10  }
0x32: {  	s10 =	sld [smem:$0x3FB1];
	_ =	sdelay $0x3  }
0x33: {  	p0 =	seq.s32 s10, $0x1;
	s10 =	sld [smem:$0x3FB3];
	_ =	sdelay $0x3  }
0x34: {  	[smem:$0x3FB3] =	sst s10  }
0x35: {  	s10 =	sld [smem:$0x3FB2];
	_ =	sdelay $0x3  }
0x36: {  	p1 =	seq.s32 s10, $0x1;
	s10 =	sld [smem:$0x3FB3];
	_ =	sdelay $0x3  }
0x37: {  	[smem:$0x3FB3] =	sst s10  }
0x38: {  	s10 =	sld [smem:$0x3FB4]  }
0x39: {  	_ = 	snop;
	(pc) =	sbr.ind lr, $3  }
0x3a: {  	_ = 	snop  }
0x3b: {  	_ = 	snop  }
0x3c: {  	p2 =	seq.s32 s10, $0x1;
	s10 =	sld [smem:$0x3FB3]  }
0x3d: {  	_ =	shalt  }
0x3e: {  	_ =	shalt  }
0x3f: {  	_ =	shalt  }
0x40: {  	_ =	shalt  }
0x41: {  	_ =	shalt  }
0x42: {  	_ =	shalt  }
0x43: {  	_ =	shalt  }
0x44: {  	_ =	shalt  }
0x45: {  	_ =	shalt  }
0x46: {  	_ =	shalt  }
0x47: {  	_ =	shalt  }
0x48: {  	_ =	shalt  }
0x49: {  	_ =	shalt  }
0x4a: {  	_ =	shalt  }
0x4b: {  	_ =	shalt  }
0x4c: {  	_ =	shalt  }
0x4d: {  	_ =	shalt  }
0x4e: {  	_ =	shalt  }
0x4f: {  	_ =	shalt  }
0x50: {  	_ =	shalt  }
0x51: {  	_ =	shalt  }
0x52: {  	_ =	shalt  }
0x53: {  	_ =	shalt  }
0x54: {  	_ =	shalt  }
0x55: {  	_ =	shalt  }
0x56: {  	_ =	shalt  }
0x57: {  	_ =	shalt  }
0x58: {  	_ =	shalt  }
0x59: {  	_ =	shalt  }
0x5a: {  	_ =	shalt  }
0x5b: {  	_ =	shalt  }
0x5c: {  	_ =	shalt  }
0x5d: {  	_ =	shalt  }
0x5e: {  	_ =	shalt  }
0x5f: {  	_ =	shalt  }
0x60: {  	_ =	shalt  }
0x61: {  	_ =	shalt  }
0x62: {  	_ =	shalt  }
0x63: {  	_ =	shalt  }
0x64: {  	_ =	shalt  }
0x65: {  	_ =	shalt  }
0x66: {  	_ =	shalt  }
0x67: {  	_ =	shalt  }
0x68: {  	_ =	shalt  }
0x69: {  	_ =	shalt  }
0x6a: {  	_ =	shalt  }
0x6b: {  	_ =	shalt  }
0x6c: {  	_ =	shalt  }
0x6d: {  	_ =	shalt  }
0x6e: {  	_ =	shalt  }
0x6f: {  	_ =	shalt  }
0x70: {  	_ =	shalt  }
0x71: {  	_ =	shalt  }
0x72: {  	_ =	shalt  }
0x73: {  	_ =	shalt  }
0x74: {  	_ =	shalt  }
0x75: {  	_ =	shalt  }
0x76: {  	_ =	shalt  }
0x77: {  	_ =	shalt  }
0x78: {  	_ =	shalt  }
0x79: {  	_ =	shalt  }
0x7a: {  	_ =	shalt  }
0x7b: {  	_ =	shalt  }
0x7c: {  	_ =	shalt  }
0x7d: {  	_ =	shalt  }
0x7e: {  	_ =	shalt  }
0x7f: {  	_ =	shalt  }
0x80: {  	_ =	shalt  }
0x81: {  	_ =	shalt  }
0x82: {  	_ =	shalt  }
0x83: {  	_ =	shalt  }
0x84: {  	_ =	shalt  }
0x85: {  	_ =	shalt  }
0x86: {  	_ =	shalt  }
0x87: {  	_ =	shalt  }
.Lfunc_end0:
.L_simem_size_0:
called_computation_lowered:
.L_overlay_start_0:
0x88: {  	s2 =	sld [smem:$0x3FD9]  }
0x89: {  	s3 =	sld [smem:$0x3FFE];
	_ =	sdelay $0x1  }
0x8a: {  	s1 =	srdreg.scid  }
0x8b: {  	s0 =	sand.u32 $0x1, s1  }
0x8c: {  	s16 =	sshll.u32 s0, $0xA;
	s2 =	sadd.s32 s3, s2  }
0x8d: {  	s2 =	sadd.s32 s2, s16  }
0x8e: {  	[smem:$0x3FBF] =	sst s2  }
0x8f: {  	_ = 	snop  }
0x90: {  	(tm) =	ssettm $0x1  }
0x91: {  	s17 =	sld [smem:$0x3FFB];
	_ =	sdelay $0x3  }
0x92: {  	_ =	strace s17  }
0x93: {  	s2 =	sld [smem:$0x3FFC];
	_ =	sdelay $0x3  }
0x94: {  	_ =	strace s2  }
0x95: {  	s2 =	sld [smem:$0x3FFD];
	_ =	sdelay $0x3  }
0x96: {  	_ =	strace s2  }
0x97: {  	_ =	strace $0x8FFFFFFF  }
0x98: {  	s18 =	sld [smem:$0x3FDB];
	_ =	sdelay $0x1  }
0x99: {  	s19 =	simm.s32 $_scs_section_size  }
0x9a: {  	s4 =	simm.s32 $_size__tile_overlayer_lowered;
	s5 =	simm.s32 $_tile_overlayer_lowered  }
0x9b: {  	s22 =	simm.s32 $0x1BFF;
	s21 =	sshll.u32 s5, $0x1;
	s2 =	sadd.s32 s19, s18  }
0x9c: {  	s6 =	simm.s32 $0x0;
	s20 =	sshll.u32 s4, $0x1;
	s4 =	sadd.s32 s21, s2  }
0x9d: {  	[timem:s6], [sflag:s22] =	dma.local [hbm:s4], s20  }
0x9e: {  	_ =	swait.ge [sflag:s22], s20  }
0x9f: {  	s3 =	ssub.s32 $0x0, s20;
	[sflag:s22] =	ssyncset.done $0x0  }
0xa0: {  	[sflag:s22] =	ssyncadd.s32 s3;
	_ =	sdelay $0x1  }
0xa1: {  	s23 =	simm.s32 $0x1B8B  }
0xa2: {  	_ =	swait.ge [sflag:s23], $0x1  }
0xa3: {  	[sflag:s23] =	ssyncset.done $0x0  }
0xa4: {  	s25 =	simm.s32 $0x1B8E;
	s24 =	sld [smem:$0x3FFE];
	[sflag:s23] =	ssyncadd.s32 $0xFFFFFFFF  }
0xa5: {  	s26 =	simm.s32 $execute0_lowered;
	[smem:$0x3FD2] =	sst s25  }
0xa6: {  	s4 =	sshll.u32 s26, $0x1;
	_ =	strace $0x80000046;
	[dreg:$0x1] =	wrdreg $0xFFFFFFFF  }
0xa7: {  	s28 =	simm.s32 $_size_execute0_lowered;
	s2 =	sadd.s32 s2, s4;
	[dreg:$0x0] =	wrdreg $0x0  }
0xa8: {  	s4 =	sshll.u32 s28, $0x1;
	[dreg:$0x2] =	wrdreg s2  }
0xa9: {  	[dreg:$0x3] =	wrdreg s4  }
0xaa: {  	[dreg:$0x4] =	wrdreg $0xC0  }
0xab: {  	_ =	task [dreg:s6], $0x5FFFF  }
0xac: {  	[dreg:$0x1] =	wrdreg $0xFFFFFFFF  }
0xad: {  	[dreg:$0x0] =	wrdreg $0x60  }
0xae: {  	[dreg:$0x2] =	wrdreg s24  }
0xaf: {  	[dreg:$0x3] =	wrdreg $0x90000  }
0xb0: {  	[dreg:$0x4] =	wrdreg $0x9  }
0xb1: {  	_ =	task.clear_ibuf [dreg:s6], $0x5FFFF;
	_ =	strace $0x90000046  }
0xb2: {  	s29 =	simm.s32 $0x9;
	_ =	strace $0x80000048  }
0xb3: {  	_ =	swait.ge [sflag:s29], $0x1  }
0xb4: {  	[sflag:s29] =	ssyncadd.s32 $0xFFFFFFFF  }
0xb5: {  	_ =	strace $0x90000048  }
0xb6: {  	_ =	sfence  }
0xb7: {  	s30 =	sld [smem:$0x0];
	_ =	sdelay $0x2  }
0xb8: {  	s31 =	sshll.u32 s1, $0xD;
	s1 =	sshrl.u32 s1, $0x2  }
0xb9: {  	s3 =	sand.u32 $0x4000, s31;
	s1 =	sadd.s32 s1, s30  }
0xba: {  	s0 =	sor.u32 s3, s0;
	s1 =	sshll.u32 s1, $0x11  }
0xbb: {  	s0 =	sor.u32 s1, s0  }
0xbc: {  	s0 =	sadd.s32 $0x8F2B, s0  }
0xbd: {  	[sflag:s0] =	ssyncadd.remote.s32 $0x1  }
0xbe: {  	_ =	sfence.sel $0xFFFF  }
0xbf: {  	[dreg:$0x0] =	wrdreg $0xFFFFFFFF;
	(pc) =	sbr.abs _section_cstart, $3  }
0xc0: {  	[dreg:$0x1] =	wrdreg $0xFFFFFFFF  }
0xc1: {  	_ =	task.clear_ibuf [dreg:s6], $0x2FFFF;
	_ =	strace $0x9FFFFFFF  }
0xc2: {  	(tm) =	ssettm $0x7FFFFFFF  }
0xc3: {  	_ =	shalt  }
tec
execute0_lowered:
.L_overlay_start_1:
0x0: {  	(tag) =	ssettag $0x1  }
0x1: {  	s7 =	rddreg [dreg:$0x0]  }
0x2: {  	s0 =	srdreg.scid;
	s2 =	rddreg [dreg:$0x1];
	s3 =	simm.s32 $0x0  }
0x3: {  	s15 =	simm.s32 $0x5000;
	s16 =	simm.s32 $0x2;
	s17 =	simm.s32 $0x2800  }
0x4: {  	s18 =	simm.s32 $0x80;
	s19 =	simm.s32 $0x1;
	s6 =	sand.u32 $0x1, s0  }
0x5: {  	s22 =	simm.s32 $0x0;
	s0 =	stileid.u32;
	s9 =	smul.u32 $0x140000, s6  }
0x6: {  	[smem:$0x7FF] =	sst s3;
	s5 =	sadd.s32 $0xA3EE00, s7;
	s10 =	smul.u32 $0x14000, s0  }
0x7: {  	s1 =	sshll.u32 s6, $0x4;
	s11 =	smul.u32 $0x50000, s0;
	s29 =	ssub.s32 $0x2, s6  }
0x8: {  	s20 =	sshll.u32 s0, $0x6;
	s4 =	sor.u32 s0, s1;
	s1 =	rddreg [dreg:$0x2]  }
0x9: {  	_ =	strace $0x80000047;
	s31 =	sshrl.u32 s29, $0x1;
	s20 =	sor.u32 $0x1C02, s20  }
0xa: {  	s8 =	smul.u32 $0x500, s4;
	s4 =	sadd.s32 $0xA16400, s7;
	s30 =	sshrl.u32 s11, $0x2  }
0xb: {  	s28 =	sadd.s32 s10, s9;
	s14 =	ssub.s32 s29, s31;
	s6 =	sadd.s32 s30, s2  }
0xc: {  	s14 =	smax.u32 s14, $0x1;
	s12 =	sadd.s32 s8, s7;
	s8 =	sshrl.u32 s28, $0x3  }
0xd: {  	s9 =	sadd.s32 $0xC000, s6;
	s10 =	sadd.s32 $0x10000, s6;
	s13 =	sadd.s32 s8, s7  }
0xe: {  	s7 =	sadd.s32 $0x4000, s6;
	s8 =	sadd.s32 $0x8000, s6;
	s11 =	sadd.s32 $0x2400, s12  }
0xf: {  	s21 =	sshrl.u32 s6, $0x3;
	s12 =	sadd.s32 $0x50C400, s12;
	s13 =	sadd.s32 $0xA3F600, s13  }
.LBB2_1:
0x10: {  	[tilespmem:s15], [sflag:$0x2] =	stream.linear.gather [hbm4b:s5+s3], $0x4000, $0x38;
	[tilespmem:$0x1D000] =	vst v63  }
0x11: {  	_ =	swait.ge [sflag:s16], $0x4000  }
0x12: {  	[sflag:s16] =	ssyncset.done $0x0  }
0x13: {  	[sflag:s16] =	ssyncadd.s32 $0xFFFFC000  }
0x14: {  	[spmem:s6] =	stream.linear.scatter [tilespmem:s15], [sflag:$0x2], $0x4000, $0x38;
	[tilespmem:$0x1D000] =	vst v63  }
0x15: {  	_ =	swait.ge [sflag:s16], $0x4000  }
0x16: {  	[sflag:s16] =	ssyncset.done $0x0  }
0x17: {  	[sflag:s16] =	ssyncadd.s32 $0xFFFFC000  }
0x18: {  	[spmem:s7] =	stream.linear.scatter [tilespmem:s15], [sflag:$0x2], $0x4000, $0x38;
	[tilespmem:$0x1D000] =	vst v63  }
0x19: {  	_ =	swait.ge [sflag:s16], $0x4000  }
0x1a: {  	[sflag:s16] =	ssyncset.done $0x0  }
0x1b: {  	[sflag:s16] =	ssyncadd.s32 $0xFFFFC000  }
0x1c: {  	[spmem:s8] =	stream.linear.scatter [tilespmem:s15], [sflag:$0x2], $0x4000, $0x38;
	[tilespmem:$0x1D000] =	vst v63  }
0x1d: {  	_ =	swait.ge [sflag:s16], $0x4000  }
0x1e: {  	[sflag:s16] =	ssyncset.done $0x0  }
0x1f: {  	[sflag:s16] =	ssyncadd.s32 $0xFFFFC000  }
0x20: {  	[spmem:s9] =	stream.linear.scatter [tilespmem:s15], [sflag:$0x2], $0x4000, $0x38;
	[tilespmem:$0x1D000] =	vst v63  }
0x21: {  	_ =	swait.ge [sflag:s16], $0x4000  }
0x22: {  	[sflag:s16] =	ssyncset.done $0x0  }
0x23: {  	[sflag:s16] =	ssyncadd.s32 $0xFFFFC000  }
0x24: {  	[spmem:s10] =	stream.linear.scatter [tilespmem:s15], [sflag:$0x2], $0x4000, $0x38;
	[tilespmem:$0x1D000] =	vst v63  }
0x25: {  	_ =	swait.ge [sflag:s16], $0x4000  }
0x26: {  	[sflag:s16] =	ssyncset.done $0x0  }
0x27: {  	[sflag:s16] =	ssyncadd.s32 $0xFFFFC000  }
0x28: {  	[tilespmem:s3], [sflag:$0x2] =	stream.linear.gather [hbm4b:s11+s3], $0x2800, $0x38;
	[tilespmem:$0x1D000] =	vst v63  }
0x29: {  	_ =	swait.ge [sflag:s16], $0x2800  }
0x2a: {  	[sflag:s16] =	ssyncset.done $0x0  }
0x2b: {  	[sflag:s16] =	ssyncadd.s32 $0xFFFFD800  }
0x2c: {  	[tilespmem:s17], [sflag:$0x2] =	stream.linear.gather [hbm4b:s12+s3], $0x2800, $0x38;
	[tilespmem:$0x1D000] =	vst v63  }
0x2d: {  	_ =	swait.ge [sflag:s16], $0x2800  }
0x2e: {  	[sflag:s16] =	ssyncset.done $0x0  }
0x2f: {  	[sflag:s16] =	ssyncadd.s32 $0xFFFFD800  }
0x30: {  	s23 =	simm.s32 $0x0;
	[bflag:$0x0] =	sbarrier.arrive $0xFFFF  }
0x31: {  	[tilespmem:s15], [sflag:$0x1] =	stream.indirect.gather [hbm4b:s4+s18], $0x80, s23, s18, $0xb8;
	[tilespmem:$0x1D000] =	vst v63  }
0x32: {  	_ =	swait.ge [sflag:s19], $0x4000  }
0x33: {  	[sflag:s19] =	ssyncset.done $0x0  }
0x34: {  	s31 =	simm.s32 $0x2800;
	[sflag:s19] =	ssyncadd.s32 $0xFFFFC000  }
0x35: {  	[spmem:s2] =	stream.indirect.scatter.add.f32 [tilespmem:s15], [sflag:$0x2], $0x80, s31, s18, $0xb8;
	[tilespmem:$0x1D000] =	vst v63  }
0x36: {  	_ =	swait.ge [sflag:s16], $0x4000  }
0x37: {  	s24 =	simm.s32 $0x400;
	s23 =	simm.s32 $0x200;
	[sflag:s16] =	ssyncset.done $0x0  }
.LBB2_2:
0x38: {  	s25 =	sshra.s32 s23, $0x2  }
0x39: {  	[sflag:s16] =	ssyncadd.s32 $0xFFFFC000;
	s23 =	smov.u32 s24;
	s26 =	sadd.s32 $0x200, s24  }
0x3a: {  	[tilespmem:s15], [sflag:$0x1] =	stream.indirect.gather [hbm4b:s4+s18], $0x80, s25, s18, $0xb8;
	[tilespmem:$0x1D000] =	vst v63  }
0x3b: {  	p0 =	sne.s32 s24, $0x9E00;
	_ =	swait.ge [sflag:s19], $0x4000  }
.Ltmp0:
0x3c: {  	[sflag:s19] =	ssyncset.done $0x0;
	(pc) =	sbr.rel @p0 .LBB2_2-.Ltmp0, $4  }
0x3d: {  	s24 =	sadd.s32 $0x2800, s25;
	[sflag:s19] =	ssyncadd.s32 $0xFFFFC000  }
0x3e: {  	[spmem:s2] =	stream.indirect.scatter.add.f32 [tilespmem:s15], [sflag:$0x2], $0x80, s24, s18, $0xb8;
	[tilespmem:$0x1D000] =	vst v63  }
0x3f: {  	_ =	swait.ge [sflag:s16], $0x4000  }
0x40: {  	s24 =	smov.u32 s26;
	[sflag:s16] =	ssyncset.done $0x0  }
0x41: {  	s23 =	sshra.s32 s23, $0x2;
	[sflag:s16] =	ssyncadd.s32 $0xFFFFC000  }
0x42: {  	[tilespmem:s15], [sflag:$0x1] =	stream.indirect.gather [hbm4b:s4+s18], $0x80, s23, s18, $0xb8;
	[tilespmem:$0x1D000] =	vst v63  }
0x43: {  	_ =	swait.ge [sflag:s19], $0x4000  }
0x44: {  	[sflag:s19] =	ssyncset.done $0x0  }
0x45: {  	s23 =	sadd.s32 $0x2800, s23;
	[sflag:s19] =	ssyncadd.s32 $0xFFFFC000  }
0x46: {  	[spmem:s2] =	stream.indirect.scatter.add.f32 [tilespmem:s15], [sflag:$0x2], $0x80, s23, s18, $0xb8;
	[tilespmem:$0x1D000] =	vst v63  }
0x47: {  	_ =	swait.ge [sflag:s16], $0x4000  }
0x48: {  	s22 =	sadd.s32 $0x1, s22;
	[sflag:s16] =	ssyncset.done $0x0  }
0x49: {  	p0 =	sne.s32 s22, s14;
	[sflag:s16] =	ssyncadd.s32 $0xFFFFC000  }
.Ltmp1:
0x4a: {  	[bflag:$0x0] =	sbarrier.arrive $0xFFFF;
	(pc) =	sbr.rel @p0 .LBB2_1-.Ltmp1, $4  }
0x4b: {  	[hbm:s13], [sflag:s20] =	dma.local [spmem:s21], $0x2800  }
0x4c: {  	_ =	swait.ge [sflag:s16], $0x2800  }
0x4d: {  	[sflag:s16] =	ssyncset.done $0x0  }
0x4e: {  	[sflag:s16] =	ssyncadd.s32 $0xFFFFD800  }
0x4f: {  	_ =	sfence.sel $0x180000  }
0x50: {  	[bflag:$0x0] =	sbarrier.arrive $0xFFFF  }
0x51: {  	p0 =	sne.s32 s0, $0x0;
	_ =	strace $0x90000047  }
0x52: {  	s0 =	sadd.s32 @!p0 $0x100000, s1;
	[bflag:$0x2] =	sbarrier.arrive $0xFFFF  }
0x53: {  	[sflag:s0] =	ssyncadd.tile.s32 @!p0 $0x1;
	_ =	shalt  }
.Lfunc_end2:
_tile_overlayer_lowered:
.L_overlay_start_2:
0x54: {  	(tag) =	ssettag $0x2  }
0x55: {  	s0 =	rddreg [dreg:$0x0];
	s2 =	stileid.u32  }
0x56: {  	s1 =	rddreg [dreg:$0x1];
	p0 =	sne.s32 s2, $0x0  }
0x57: {  	s3 =	rddreg [dreg:$0x2];
	[bflag:$0x3] =	sbarrier.arrive $0xFFFF;
	s2 =	simm.s32 @!p0 $0x1C02  }
0x58: {  	[timem:s3], [sflag:s2] =	dma.local @!p0 [hbm:s0], s1  }
0x59: {  	s0 =	simm.s32 @!p0 $0x2  }
0x5a: {  	_ =	swait.ge @!p0 [sflag:s0], s1  }
0x5b: {  	s1 =	ssub.s32 @!p0 $0x0, s1;
	[sflag:s0] =	ssyncset.done @!p0 $0x0  }
0x5c: {  	[sflag:s0] =	ssyncadd.s32 @!p0 s1  }
0x5d: {  	[bflag:$0x3] =	sbarrier.arrive $0xFFFF  }
0x5e: {  	_ =	shalt  }

</sc_bundles>
